<compile_context>
chip_gen: v7x
topology: tpu7x:2x2x1
jax: 0.10.2.dev20260603
libtpu: 0.0.44.dev20260713+nightly
codegen_flags: <defaults>
</compile_context>

<pallas_src>
import functools

import jax
import jax.numpy as jnp
from jax import lax
from jax.experimental import pallas as pl
from jax.experimental.pallas import tpu as pltpu, tpu_sc as plsc

BS = 2
N = 8192
M = 4096
C = 128
BM = 256
BIG = 1e30

NC = 2
NS = 16
NW = NC * NS
NSPLIT = 1
MC = M // NSPLIT
CPW = MC // NW


def _knn_body(b, child_ref, xyz_ref, idx_ref, w_ref):
    c = child_ref[0]
    p = xyz_ref[0]
    t0 = c[:, 0:1] - p[0:1, :]
    t1 = c[:, 1:2] - p[1:2, :]
    t2 = c[:, 2:3] - p[2:3, :]
    d2 = (t0 * t0 + t1 * t1) + t2 * t2

    iota = lax.broadcasted_iota(jnp.int32, (BM, N), 1).astype(jnp.float32)
    fn = jnp.float32(N)

    m1 = jnp.min(d2, axis=1, keepdims=True)
    a1 = jnp.min(jnp.where(d2 == m1, iota, fn), axis=1, keepdims=True)
    d2b = jnp.where(iota == a1, BIG, d2)
    m2 = jnp.min(d2b, axis=1, keepdims=True)
    a2 = jnp.min(jnp.where(d2b == m2, iota, fn), axis=1, keepdims=True)
    d2c = jnp.where(iota == a2, BIG, d2b)
    m3 = jnp.min(d2c, axis=1, keepdims=True)
    a3 = jnp.min(jnp.where(d2c == m3, iota, fn), axis=1, keepdims=True)

    d = jnp.sqrt(jnp.maximum(jnp.concatenate([m1, m2, m3], axis=1), 1e-12))
    inv = 1.0 / (d + 1e-8)
    w = inv / jnp.sum(inv, axis=1, keepdims=True)

    ai = jnp.concatenate([a1, a2, a3], axis=1).astype(jnp.int32)
    idx_ref[0] = ai + b * N
    w_ref[0] = w


def _three_nn_tc(child_xyz, xyz_t, b, h):
    grid = (MC // BM,)
    off = h * (MC // BM)
    return pl.pallas_call(
        functools.partial(_knn_body, b),
        grid=grid,
        in_specs=[
            pl.BlockSpec((1, BM, 3), lambda i: (b, off + i, 0)),
            pl.BlockSpec((1, 3, N), lambda i: (b, 0, 0)),
        ],
        out_specs=[
            pl.BlockSpec((1, BM, 3), lambda i: (0, i, 0)),
            pl.BlockSpec((1, BM, 3), lambda i: (0, i, 0)),
        ],
        out_shape=[
            jax.ShapeDtypeStruct((1, MC, 3), jnp.int32),
            jax.ShapeDtypeStruct((1, MC, 3), jnp.float32),
        ],
    )(child_xyz, xyz_t)


def _gather_body(feats_hbm, idx0_hbm, idx1_hbm, idx2_hbm,
                 w0_hbm, w1_hbm, w2_hbm, out_hbm,
                 idx0_v, idx1_v, idx2_v, w0_v, w1_v, w2_v,
                 rows_v, out_v, sem):
    wid = lax.axis_index("s") * NC + lax.axis_index("c")
    base = wid * CPW

    sl = pl.ds(base, CPW)
    s0 = pltpu.async_copy(idx0_hbm.at[sl], idx0_v, sem)
    s1 = pltpu.async_copy(idx1_hbm.at[sl], idx1_v, sem)
    s2 = pltpu.async_copy(idx2_hbm.at[sl], idx2_v, sem)
    s3 = pltpu.async_copy(w0_hbm.at[sl], w0_v.at[pl.ds(0, CPW)], sem)
    s4 = pltpu.async_copy(w1_hbm.at[sl], w1_v.at[pl.ds(0, CPW)], sem)
    s5 = pltpu.async_copy(w2_hbm.at[sl], w2_v.at[pl.ds(0, CPW)], sem)
    s0.wait(); s1.wait(); s2.wait(); s3.wait(); s4.wait(); s5.wait()

    c0 = pltpu.async_copy(feats_hbm.at[idx0_v], rows_v.at[pl.ds(0, CPW)], sem)
    c1 = pltpu.async_copy(feats_hbm.at[idx1_v], rows_v.at[pl.ds(CPW, CPW)], sem)
    c2 = pltpu.async_copy(feats_hbm.at[idx2_v], rows_v.at[pl.ds(2 * CPW, CPW)],
                          sem)
    c0.wait()
    c1.wait()
    c2.wait()

    def child_body(lc, _):
        w0 = jnp.full((16,), w0_v[pl.ds(lc, 16)][0], jnp.float32)
        w1 = jnp.full((16,), w1_v[pl.ds(lc, 16)][0], jnp.float32)
        w2 = jnp.full((16,), w2_v[pl.ds(lc, 16)][0], jnp.float32)
        for dc in range(C // 16):
            s = pl.ds(dc * 16, 16)
            acc = (w0 * rows_v[lc, s] + w1 * rows_v[CPW + lc, s]
                   + w2 * rows_v[2 * CPW + lc, s])
            out_v[lc, s] = acc
        return ()

    lax.fori_loop(0, CPW, child_body, (), unroll=False)
    pltpu.sync_copy(out_v, out_hbm.at[pl.ds(base, CPW)])


def _gather_sc(feats_flat, idx, w):
    mesh = plsc.VectorSubcoreMesh(core_axis_name="c", subcore_axis_name="s",
                                  num_cores=NC, num_subcores=NS)
    f = pl.kernel(
        _gather_body,
        out_type=jax.ShapeDtypeStruct((MC, C), jnp.float32),
        mesh=mesh,
        scratch_types=[
            pltpu.VMEM((CPW,), jnp.int32),
            pltpu.VMEM((CPW,), jnp.int32),
            pltpu.VMEM((CPW,), jnp.int32),
            pltpu.VMEM((CPW + 16,), jnp.float32),
            pltpu.VMEM((CPW + 16,), jnp.float32),
            pltpu.VMEM((CPW + 16,), jnp.float32),
            pltpu.VMEM((3 * CPW, C), jnp.float32),
            pltpu.VMEM((CPW, C), jnp.float32),
            pltpu.SemaphoreType.DMA,
        ],
    )
    return f(feats_flat, idx[:, 0], idx[:, 1], idx[:, 2],
             w[:, 0], w[:, 1], w[:, 2])


@jax.jit
def kernel(xyz, feats, child_xyz):
    xyz_t = jnp.transpose(xyz, (0, 2, 1))
    feats_flat = jnp.transpose(feats, (0, 2, 1)).reshape(BS * N, C)
    outs = []
    for b in range(BS):
        for h in range(NSPLIT):
            idx, w = _three_nn_tc(child_xyz, xyz_t, b, h)
            outs.append(_gather_sc(feats_flat, idx[0], w[0]))
    out = jnp.stack(outs).reshape(BS, M, C)
    child_feats = jnp.transpose(out, (0, 2, 1))
    return (child_xyz, child_feats)

# --- scband reference (transcript-rebuilt; emitter-appended) ---
"""Pipeline reference for scband-point-downsample-6176162972235 (READ-ONLY COPY).

The authoritative reference and input builder live on the scoring server;
editing this copy changes nothing except your own understanding.
"""

import jax, jax.numpy as jnp
import numpy as np


def three_nn(child_xyz, xyz):
    # child_xyz: (bs, m, 3), xyz: (bs, n, 3)
    d2 = jnp.sum((child_xyz[:, :, None, :] - xyz[:, None, :, :]) ** 2, axis=-1)  # (bs, m, n)
    neg_d2, idx = jax.lax.top_k(-d2, 3)  # 3 nearest neighbors
    dist = jnp.sqrt(jnp.maximum(-neg_d2, 1e-12))
    return dist, idx


def three_interpolate(feats, idx, weight):
    # feats: (bs, c, n), idx: (bs, m, 3), weight: (bs, m, 3)
    gathered = jax.vmap(lambda f, i: f[:, i])(feats, idx)  # (bs, c, m, 3)
    return jnp.sum(gathered * weight[:, None, :, :], axis=-1)  # (bs, c, m)


def setup_inputs(seed: int = 0):
    key = jax.random.key(seed)
    k1, k2, k3 = jax.random.split(key, 3)
    xyz = jax.random.uniform(k1, (2, 8192, 3), dtype=jnp.float32)
    feats = jax.random.normal(k2, (2, 128, 8192), dtype=jnp.float32)
    child_xyz = jax.random.uniform(k3, (2, 4096, 3), dtype=jnp.float32)
    return {"xyz": xyz, "feats": feats, "child_xyz": child_xyz}


def reference(xyz, feats, child_xyz):
    # mode='linear': inverse-distance-weighted 3-NN interpolation
    dist, idx = three_nn(child_xyz, xyz)
    inv_dist = 1.0 / (dist + 1e-8)
    norm = jnp.sum(inv_dist, axis=2, keepdims=True)
    weight = inv_dist / norm
    child_feats = three_interpolate(feats, idx, weight)
    return (child_xyz, child_feats)

if __name__ == "__main__":
    import jax
    _d = setup_inputs()
    print(jax.jit(kernel)(*tuple(_d.values())))

</pallas_src>

<mosaic_0001>
#map = affine_map<(d0, d1) -> (0, 0)>
#map1 = affine_map<(d0, d1) -> (0)>
module attributes {stable_mosaic.version = 14 : i64} {
  func.func @_gather_body(%arg0: i32, %arg1: i32, %arg2: memref<16384x128xf32, #tpu.memory_space<hbm>>, %arg3: memref<4096xi32, #tpu.memory_space<hbm>>, %arg4: memref<4096xi32, #tpu.memory_space<hbm>>, %arg5: memref<4096xi32, #tpu.memory_space<hbm>>, %arg6: memref<4096xf32, #tpu.memory_space<hbm>>, %arg7: memref<4096xf32, #tpu.memory_space<hbm>>, %arg8: memref<4096xf32, #tpu.memory_space<hbm>>, %arg9: memref<4096x128xf32, #tpu.memory_space<hbm>>, %arg10: memref<128xi32, #tpu.memory_space<vmem>>, %arg11: memref<128xi32, #tpu.memory_space<vmem>>, %arg12: memref<128xi32, #tpu.memory_space<vmem>>, %arg13: memref<144xf32, #tpu.memory_space<vmem>>, %arg14: memref<144xf32, #tpu.memory_space<vmem>>, %arg15: memref<144xf32, #tpu.memory_space<vmem>>, %arg16: memref<384x128xf32, #tpu.memory_space<vmem>>, %arg17: memref<128x128xf32, #tpu.memory_space<vmem>>, %arg18: memref<!tpu.dma_semaphore, #tpu.memory_space<semaphore_mem>>) attributes {dimension_semantics = [#tpu.dimension_semantics<core_parallel>, #tpu.dimension_semantics<subcore_parallel>], iteration_bounds = array<i64: 2, 16>, scalar_prefetch = 0 : i64, scratch_operands = 9 : i64, tpu.core_type = #tpu.core_type<sc_vector_subcore>, window_params = [{transform_indices = #map}, {transform_indices = #map1}, {transform_indices = #map1}, {transform_indices = #map1}, {transform_indices = #map1}, {transform_indices = #map1}, {transform_indices = #map1}, {transform_indices = #map}]} {
    %mul3A = arith.constant 2 : i32
    %mul3A_0 = arith.muli %arg1, %mul3A : i32
    %add3A = arith.addi %mul3A_0, %arg0 : i32
    %mul3A_1 = arith.constant 128 : i32
    %mul3A_2 = arith.muli %add3A, %mul3A_1 : i32
    %dma_start3A = tpu.memref_slice %arg3[%mul3A_2] : memref<4096xi32, #tpu.memory_space<hbm>> -> memref<128xi32, #tpu.memory_space<hbm>>
    %dma_start3A_3 = tpu.memref_slice %arg3[%mul3A_2] : memref<4096xi32, #tpu.memory_space<hbm>> -> memref<128xi32, #tpu.memory_space<hbm>>
    tpu.enqueue_dma source(%dma_start3A_3 : memref<128xi32, #tpu.memory_space<hbm>>) target(%arg10 : memref<128xi32, #tpu.memory_space<vmem>>) target_semaphore(%arg18 : memref<!tpu.dma_semaphore, #tpu.memory_space<semaphore_mem>>)
    %dma_start3A_4 = tpu.memref_slice %arg4[%mul3A_2] : memref<4096xi32, #tpu.memory_space<hbm>> -> memref<128xi32, #tpu.memory_space<hbm>>
    %dma_start3A_5 = tpu.memref_slice %arg4[%mul3A_2] : memref<4096xi32, #tpu.memory_space<hbm>> -> memref<128xi32, #tpu.memory_space<hbm>>
    tpu.enqueue_dma source(%dma_start3A_5 : memref<128xi32, #tpu.memory_space<hbm>>) target(%arg11 : memref<128xi32, #tpu.memory_space<vmem>>) target_semaphore(%arg18 : memref<!tpu.dma_semaphore, #tpu.memory_space<semaphore_mem>>)
    %dma_start3A_6 = tpu.memref_slice %arg5[%mul3A_2] : memref<4096xi32, #tpu.memory_space<hbm>> -> memref<128xi32, #tpu.memory_space<hbm>>
    %dma_start3A_7 = tpu.memref_slice %arg5[%mul3A_2] : memref<4096xi32, #tpu.memory_space<hbm>> -> memref<128xi32, #tpu.memory_space<hbm>>
    tpu.enqueue_dma source(%dma_start3A_7 : memref<128xi32, #tpu.memory_space<hbm>>) target(%arg12 : memref<128xi32, #tpu.memory_space<vmem>>) target_semaphore(%arg18 : memref<!tpu.dma_semaphore, #tpu.memory_space<semaphore_mem>>)
    %dma_start3A_8 = arith.constant 0 : i32
    %dma_start3A_9 = tpu.memref_slice %arg13[%dma_start3A_8] : memref<144xf32, #tpu.memory_space<vmem>> -> memref<128xf32, #tpu.memory_space<vmem>>
    %dma_start3A_10 = tpu.memref_slice %arg6[%mul3A_2] : memref<4096xf32, #tpu.memory_space<hbm>> -> memref<128xf32, #tpu.memory_space<hbm>>
    %dma_start3A_11 = arith.constant 0 : i32
    %dma_start3A_12 = tpu.memref_slice %arg13[%dma_start3A_11] : memref<144xf32, #tpu.memory_space<vmem>> -> memref<128xf32, #tpu.memory_space<vmem>>
    %dma_start3A_13 = tpu.memref_slice %arg6[%mul3A_2] : memref<4096xf32, #tpu.memory_space<hbm>> -> memref<128xf32, #tpu.memory_space<hbm>>
    tpu.enqueue_dma source(%dma_start3A_13 : memref<128xf32, #tpu.memory_space<hbm>>) target(%dma_start3A_12 : memref<128xf32, #tpu.memory_space<vmem>>) target_semaphore(%arg18 : memref<!tpu.dma_semaphore, #tpu.memory_space<semaphore_mem>>)
    %dma_start3A_14 = arith.constant 0 : i32
    %dma_start3A_15 = tpu.memref_slice %arg14[%dma_start3A_14] : memref<144xf32, #tpu.memory_space<vmem>> -> memref<128xf32, #tpu.memory_space<vmem>>
    %dma_start3A_16 = tpu.memref_slice %arg7[%mul3A_2] : memref<4096xf32, #tpu.memory_space<hbm>> -> memref<128xf32, #tpu.memory_space<hbm>>
    %dma_start3A_17 = arith.constant 0 : i32
    %dma_start3A_18 = tpu.memref_slice %arg14[%dma_start3A_17] : memref<144xf32, #tpu.memory_space<vmem>> -> memref<128xf32, #tpu.memory_space<vmem>>
    %dma_start3A_19 = tpu.memref_slice %arg7[%mul3A_2] : memref<4096xf32, #tpu.memory_space<hbm>> -> memref<128xf32, #tpu.memory_space<hbm>>
    tpu.enqueue_dma source(%dma_start3A_19 : memref<128xf32, #tpu.memory_space<hbm>>) target(%dma_start3A_18 : memref<128xf32, #tpu.memory_space<vmem>>) target_semaphore(%arg18 : memref<!tpu.dma_semaphore, #tpu.memory_space<semaphore_mem>>)
    %dma_start3A_20 = arith.constant 0 : i32
    %dma_start3A_21 = tpu.memref_slice %arg15[%dma_start3A_20] : memref<144xf32, #tpu.memory_space<vmem>> -> memref<128xf32, #tpu.memory_space<vmem>>
    %dma_start3A_22 = tpu.memref_slice %arg8[%mul3A_2] : memref<4096xf32, #tpu.memory_space<hbm>> -> memref<128xf32, #tpu.memory_space<hbm>>
    %dma_start3A_23 = arith.constant 0 : i32
    %dma_start3A_24 = tpu.memref_slice %arg15[%dma_start3A_23] : memref<144xf32, #tpu.memory_space<vmem>> -> memref<128xf32, #tpu.memory_space<vmem>>
    %dma_start3A_25 = tpu.memref_slice %arg8[%mul3A_2] : memref<4096xf32, #tpu.memory_space<hbm>> -> memref<128xf32, #tpu.memory_space<hbm>>
    tpu.enqueue_dma source(%dma_start3A_25 : memref<128xf32, #tpu.memory_space<hbm>>) target(%dma_start3A_24 : memref<128xf32, #tpu.memory_space<vmem>>) target_semaphore(%arg18 : memref<!tpu.dma_semaphore, #tpu.memory_space<semaphore_mem>>)
    %dma_wait3A = tpu.memref_slice %arg3[%mul3A_2] : memref<4096xi32, #tpu.memory_space<hbm>> -> memref<128xi32, #tpu.memory_space<hbm>>
    %dma_wait3A_26 = tpu.memref_slice %arg3[%mul3A_2] : memref<4096xi32, #tpu.memory_space<hbm>> -> memref<128xi32, #tpu.memory_space<hbm>>
    tpu.wait_dma2 semaphore(%arg18 : memref<!tpu.dma_semaphore, #tpu.memory_space<semaphore_mem>>) src(%dma_wait3A_26 : memref<128xi32, #tpu.memory_space<hbm>>) dst(%arg10 : memref<128xi32, #tpu.memory_space<vmem>>)
    %dma_wait3A_27 = tpu.memref_slice %arg4[%mul3A_2] : memref<4096xi32, #tpu.memory_space<hbm>> -> memref<128xi32, #tpu.memory_space<hbm>>
    %dma_wait3A_28 = tpu.memref_slice %arg4[%mul3A_2] : memref<4096xi32, #tpu.memory_space<hbm>> -> memref<128xi32, #tpu.memory_space<hbm>>
    tpu.wait_dma2 semaphore(%arg18 : memref<!tpu.dma_semaphore, #tpu.memory_space<semaphore_mem>>) src(%dma_wait3A_28 : memref<128xi32, #tpu.memory_space<hbm>>) dst(%arg11 : memref<128xi32, #tpu.memory_space<vmem>>)
    %dma_wait3A_29 = tpu.memref_slice %arg5[%mul3A_2] : memref<4096xi32, #tpu.memory_space<hbm>> -> memref<128xi32, #tpu.memory_space<hbm>>
    %dma_wait3A_30 = tpu.memref_slice %arg5[%mul3A_2] : memref<4096xi32, #tpu.memory_space<hbm>> -> memref<128xi32, #tpu.memory_space<hbm>>
    tpu.wait_dma2 semaphore(%arg18 : memref<!tpu.dma_semaphore, #tpu.memory_space<semaphore_mem>>) src(%dma_wait3A_30 : memref<128xi32, #tpu.memory_space<hbm>>) dst(%arg12 : memref<128xi32, #tpu.memory_space<vmem>>)
    %dma_wait3A_31 = arith.constant 0 : i32
    %dma_wait3A_32 = tpu.memref_slice %arg13[%dma_wait3A_31] : memref<144xf32, #tpu.memory_space<vmem>> -> memref<128xf32, #tpu.memory_space<vmem>>
    %dma_wait3A_33 = tpu.memref_slice %arg6[%mul3A_2] : memref<4096xf32, #tpu.memory_space<hbm>> -> memref<128xf32, #tpu.memory_space<hbm>>
    %dma_wait3A_34 = arith.constant 0 : i32
    %dma_wait3A_35 = tpu.memref_slice %arg13[%dma_wait3A_34] : memref<144xf32, #tpu.memory_space<vmem>> -> memref<128xf32, #tpu.memory_space<vmem>>
    %dma_wait3A_36 = tpu.memref_slice %arg6[%mul3A_2] : memref<4096xf32, #tpu.memory_space<hbm>> -> memref<128xf32, #tpu.memory_space<hbm>>
    tpu.wait_dma2 semaphore(%arg18 : memref<!tpu.dma_semaphore, #tpu.memory_space<semaphore_mem>>) src(%dma_wait3A_36 : memref<128xf32, #tpu.memory_space<hbm>>) dst(%dma_wait3A_35 : memref<128xf32, #tpu.memory_space<vmem>>)
    %dma_wait3A_37 = arith.constant 0 : i32
    %dma_wait3A_38 = tpu.memref_slice %arg14[%dma_wait3A_37] : memref<144xf32, #tpu.memory_space<vmem>> -> memref<128xf32, #tpu.memory_space<vmem>>
    %dma_wait3A_39 = tpu.memref_slice %arg7[%mul3A_2] : memref<4096xf32, #tpu.memory_space<hbm>> -> memref<128xf32, #tpu.memory_space<hbm>>
    %dma_wait3A_40 = arith.constant 0 : i32
    %dma_wait3A_41 = tpu.memref_slice %arg14[%dma_wait3A_40] : memref<144xf32, #tpu.memory_space<vmem>> -> memref<128xf32, #tpu.memory_space<vmem>>
    %dma_wait3A_42 = tpu.memref_slice %arg7[%mul3A_2] : memref<4096xf32, #tpu.memory_space<hbm>> -> memref<128xf32, #tpu.memory_space<hbm>>
    tpu.wait_dma2 semaphore(%arg18 : memref<!tpu.dma_semaphore, #tpu.memory_space<semaphore_mem>>) src(%dma_wait3A_42 : memref<128xf32, #tpu.memory_space<hbm>>) dst(%dma_wait3A_41 : memref<128xf32, #tpu.memory_space<vmem>>)
    %dma_wait3A_43 = arith.constant 0 : i32
    %dma_wait3A_44 = tpu.memref_slice %arg15[%dma_wait3A_43] : memref<144xf32, #tpu.memory_space<vmem>> -> memref<128xf32, #tpu.memory_space<vmem>>
    %dma_wait3A_45 = tpu.memref_slice %arg8[%mul3A_2] : memref<4096xf32, #tpu.memory_space<hbm>> -> memref<128xf32, #tpu.memory_space<hbm>>
    %dma_wait3A_46 = arith.constant 0 : i32
    %dma_wait3A_47 = tpu.memref_slice %arg15[%dma_wait3A_46] : memref<144xf32, #tpu.memory_space<vmem>> -> memref<128xf32, #tpu.memory_space<vmem>>
    %dma_wait3A_48 = tpu.memref_slice %arg8[%mul3A_2] : memref<4096xf32, #tpu.memory_space<hbm>> -> memref<128xf32, #tpu.memory_space<hbm>>
    tpu.wait_dma2 semaphore(%arg18 : memref<!tpu.dma_semaphore, #tpu.memory_space<semaphore_mem>>) src(%dma_wait3A_48 : memref<128xf32, #tpu.memory_space<hbm>>) dst(%dma_wait3A_47 : memref<128xf32, #tpu.memory_space<vmem>>)
    %dma_start3A_49 = arith.constant 0 : i32
    %dma_start3A_50 = arith.constant 0 : i32
    %dma_start3A_51 = tpu.memref_slice %arg16[%dma_start3A_49, %dma_start3A_50] : memref<384x128xf32, #tpu.memory_space<vmem>> -> memref<128x128xf32, #tpu.memory_space<vmem>>
    %dma_start3A_52 = arith.constant 0 : i32
    %dma_start3A_53 = arith.constant 0 : i32
    %dma_start3A_54 = tpu.memref_slice %arg2[%dma_start3A_52, %dma_start3A_53] : memref<16384x128xf32, #tpu.memory_space<hbm>> -> memref<16384x128xf32, #tpu.memory_space<hbm>>
    tpu.enqueue_indirect_dma source(%dma_start3A_54 : memref<16384x128xf32, #tpu.memory_space<hbm>>) target(%dma_start3A_51 : memref<128x128xf32, #tpu.memory_space<vmem>>) offsets(%arg10 : memref<128xi32, #tpu.memory_space<vmem>>) semaphore(%arg18 : memref<!tpu.dma_semaphore, #tpu.memory_space<semaphore_mem>>)
    %dma_start3A_55 = arith.constant 128 : i32
    %dma_start3A_56 = arith.constant 0 : i32
    %dma_start3A_57 = tpu.memref_slice %arg16[%dma_start3A_55, %dma_start3A_56] : memref<384x128xf32, #tpu.memory_space<vmem>> -> memref<128x128xf32, #tpu.memory_space<vmem>>
    %dma_start3A_58 = arith.constant 0 : i32
    %dma_start3A_59 = arith.constant 0 : i32
    %dma_start3A_60 = tpu.memref_slice %arg2[%dma_start3A_58, %dma_start3A_59] : memref<16384x128xf32, #tpu.memory_space<hbm>> -> memref<16384x128xf32, #tpu.memory_space<hbm>>
    tpu.enqueue_indirect_dma source(%dma_start3A_60 : memref<16384x128xf32, #tpu.memory_space<hbm>>) target(%dma_start3A_57 : memref<128x128xf32, #tpu.memory_space<vmem>>) offsets(%arg11 : memref<128xi32, #tpu.memory_space<vmem>>) semaphore(%arg18 : memref<!tpu.dma_semaphore, #tpu.memory_space<semaphore_mem>>)
    %dma_start3A_61 = arith.constant 256 : i32
    %dma_start3A_62 = arith.constant 0 : i32
    %dma_start3A_63 = tpu.memref_slice %arg16[%dma_start3A_61, %dma_start3A_62] : memref<384x128xf32, #tpu.memory_space<vmem>> -> memref<128x128xf32, #tpu.memory_space<vmem>>
    %dma_start3A_64 = arith.constant 0 : i32
    %dma_start3A_65 = arith.constant 0 : i32
    %dma_start3A_66 = tpu.memref_slice %arg2[%dma_start3A_64, %dma_start3A_65] : memref<16384x128xf32, #tpu.memory_space<hbm>> -> memref<16384x128xf32, #tpu.memory_space<hbm>>
    tpu.enqueue_indirect_dma source(%dma_start3A_66 : memref<16384x128xf32, #tpu.memory_space<hbm>>) target(%dma_start3A_63 : memref<128x128xf32, #tpu.memory_space<vmem>>) offsets(%arg12 : memref<128xi32, #tpu.memory_space<vmem>>) semaphore(%arg18 : memref<!tpu.dma_semaphore, #tpu.memory_space<semaphore_mem>>)
    %dma_wait3A_67 = arith.constant 0 : i32
    %dma_wait3A_68 = arith.constant 0 : i32
    %dma_wait3A_69 = tpu.memref_slice %arg16[%dma_wait3A_67, %dma_wait3A_68] : memref<384x128xf32, #tpu.memory_space<vmem>> -> memref<128x128xf32, #tpu.memory_space<vmem>>
    %dma_wait3A_70 = arith.constant 0 : i32
    %dma_wait3A_71 = arith.constant 0 : i32
    %dma_wait3A_72 = tpu.memref_slice %arg2[%dma_wait3A_70, %dma_wait3A_71] : memref<16384x128xf32, #tpu.memory_space<hbm>> -> memref<16384x128xf32, #tpu.memory_space<hbm>>
    tpu.wait_indirect_dma semaphore(%arg18 : memref<!tpu.dma_semaphore, #tpu.memory_space<semaphore_mem>>) src(%dma_wait3A_72 : memref<16384x128xf32, #tpu.memory_space<hbm>>) dst(%dma_wait3A_69 : memref<128x128xf32, #tpu.memory_space<vmem>>)
    %dma_wait3A_73 = arith.constant 128 : i32
    %dma_wait3A_74 = arith.constant 0 : i32
    %dma_wait3A_75 = tpu.memref_slice %arg16[%dma_wait3A_73, %dma_wait3A_74] : memref<384x128xf32, #tpu.memory_space<vmem>> -> memref<128x128xf32, #tpu.memory_space<vmem>>
    %dma_wait3A_76 = arith.constant 0 : i32
    %dma_wait3A_77 = arith.constant 0 : i32
    %dma_wait3A_78 = tpu.memref_slice %arg2[%dma_wait3A_76, %dma_wait3A_77] : memref<16384x128xf32, #tpu.memory_space<hbm>> -> memref<16384x128xf32, #tpu.memory_space<hbm>>
    tpu.wait_indirect_dma semaphore(%arg18 : memref<!tpu.dma_semaphore, #tpu.memory_space<semaphore_mem>>) src(%dma_wait3A_78 : memref<16384x128xf32, #tpu.memory_space<hbm>>) dst(%dma_wait3A_75 : memref<128x128xf32, #tpu.memory_space<vmem>>)
    %dma_wait3A_79 = arith.constant 256 : i32
    %dma_wait3A_80 = arith.constant 0 : i32
    %dma_wait3A_81 = tpu.memref_slice %arg16[%dma_wait3A_79, %dma_wait3A_80] : memref<384x128xf32, #tpu.memory_space<vmem>> -> memref<128x128xf32, #tpu.memory_space<vmem>>
    %dma_wait3A_82 = arith.constant 0 : i32
    %dma_wait3A_83 = arith.constant 0 : i32
    %dma_wait3A_84 = tpu.memref_slice %arg2[%dma_wait3A_82, %dma_wait3A_83] : memref<16384x128xf32, #tpu.memory_space<hbm>> -> memref<16384x128xf32, #tpu.memory_space<hbm>>
    tpu.wait_indirect_dma semaphore(%arg18 : memref<!tpu.dma_semaphore, #tpu.memory_space<semaphore_mem>>) src(%dma_wait3A_84 : memref<16384x128xf32, #tpu.memory_space<hbm>>) dst(%dma_wait3A_81 : memref<128x128xf32, #tpu.memory_space<vmem>>)
    %scan3A = arith.constant 0 : i32
    %scan3A_85 = arith.constant 128 : i32
    %scan3A_86 = arith.addi %scan3A, %scan3A_85 : i32
    %scan3A_87 = arith.constant 1 : i32
    scf.for %scan3A_89 = %scan3A to %scan3A_86 step %scan3A_87  : i32 {
      %get3A = arith.index_cast %scan3A_89 : i32 to index
      %get3A_90 = tpu.vector_load %arg13[%get3A] {strides = array<i32>} : memref<144xf32, #tpu.memory_space<vmem>>, vector<16xf32>,
      %get3A_91 = vector.shape_cast %get3A_90 : vector<16xf32> to vector<16xf32>
      %slice3A = vector.extract_strided_slice %get3A_91 {offsets = [0], sizes = [1], strides = [1]} : vector<16xf32> to vector<1xf32>
      %squeeze3A = vector.extract %slice3A[0] : f32 from vector<1xf32>
      %broadcast_in_dim3A = vector.broadcast %squeeze3A : f32 to vector<16xf32>
      %get3A_92 = arith.index_cast %scan3A_89 : i32 to index
      %get3A_93 = tpu.vector_load %arg14[%get3A_92] {strides = array<i32>} : memref<144xf32, #tpu.memory_space<vmem>>, vector<16xf32>,
      %get3A_94 = vector.shape_cast %get3A_93 : vector<16xf32> to vector<16xf32>
      %slice3A_95 = vector.extract_strided_slice %get3A_94 {offsets = [0], sizes = [1], strides = [1]} : vector<16xf32> to vector<1xf32>
      %squeeze3A_96 = vector.extract %slice3A_95[0] : f32 from vector<1xf32>
      %broadcast_in_dim3A_97 = vector.broadcast %squeeze3A_96 : f32 to vector<16xf32>
      %get3A_98 = arith.index_cast %scan3A_89 : i32 to index
      %get3A_99 = tpu.vector_load %arg15[%get3A_98] {strides = array<i32>} : memref<144xf32, #tpu.memory_space<vmem>>, vector<16xf32>,
      %get3A_100 = vector.shape_cast %get3A_99 : vector<16xf32> to vector<16xf32>
      %slice3A_101 = vector.extract_strided_slice %get3A_100 {offsets = [0], sizes = [1], strides = [1]} : vector<16xf32> to vector<1xf32>
      %squeeze3A_102 = vector.extract %slice3A_101[0] : f32 from vector<1xf32>
      %broadcast_in_dim3A_103 = vector.broadcast %squeeze3A_102 : f32 to vector<16xf32>
      %get3A_104 = arith.index_cast %scan3A_89 : i32 to index
      %get3A_105 = arith.constant 0 : index
      %get3A_106 = tpu.vector_load %arg16[%get3A_104, %get3A_105] {strides = array<i32>} : memref<384x128xf32, #tpu.memory_space<vmem>>, vector<1x16xf32>,
      %get3A_107 = vector.shape_cast %get3A_106 : vector<1x16xf32> to vector<16xf32>
      %mul3A_108 = arith.mulf %broadcast_in_dim3A, %get3A_107 : vector<16xf32>
      %add3A_109 = arith.constant 128 : i32
      %add3A_110 = arith.addi %add3A_109, %scan3A_89 : i32
      %get3A_111 = arith.index_cast %add3A_110 : i32 to index
      %get3A_112 = arith.constant 0 : index
      %get3A_113 = tpu.vector_load %arg16[%get3A_111, %get3A_112] {strides = array<i32>} : memref<384x128xf32, #tpu.memory_space<vmem>>, vector<1x16xf32>,
      %get3A_114 = vector.shape_cast %get3A_113 : vector<1x16xf32> to vector<16xf32>
      %mul3A_115 = arith.mulf %broadcast_in_dim3A_97, %get3A_114 : vector<16xf32>
      %add3A_116 = arith.addf %mul3A_108, %mul3A_115 : vector<16xf32>
      %add3A_117 = arith.constant 256 : i32
      %add3A_118 = arith.addi %add3A_117, %scan3A_89 : i32
      %get3A_119 = arith.index_cast %add3A_118 : i32 to index
      %get3A_120 = arith.constant 0 : index
      %get3A_121 = tpu.vector_load %arg16[%get3A_119, %get3A_120] {strides = array<i32>} : memref<384x128xf32, #tpu.memory_space<vmem>>, vector<1x16xf32>,
      %get3A_122 = vector.shape_cast %get3A_121 : vector<1x16xf32> to vector<16xf32>
      %mul3A_123 = arith.mulf %broadcast_in_dim3A_103, %get3A_122 : vector<16xf32>
      %add3A_124 = arith.addf %add3A_116, %mul3A_123 : vector<16xf32>
      %swap3A = arith.index_cast %scan3A_89 : i32 to index
      %swap3A_125 = arith.constant 0 : index
      %swap3A_126 = tpu.vector_load %arg17[%swap3A, %swap3A_125] {strides = array<i32>} : memref<128x128xf32, #tpu.memory_space<vmem>>, vector<1x16xf32>,
      %swap3A_127 = vector.shape_cast %swap3A_126 : vector<1x16xf32> to vector<16xf32>
      %swap3A_128 = vector.shape_cast %add3A_124 : vector<16xf32> to vector<1x16xf32>
      tpu.vector_store %arg17[%swap3A, %swap3A_125], %swap3A_128 {strides = array<i32>} : memref<128x128xf32, #tpu.memory_space<vmem>>, vector<1x16xf32>,
      %get3A_129 = arith.index_cast %scan3A_89 : i32 to index
      %get3A_130 = arith.constant 16 : index
      %get3A_131 = tpu.vector_load %arg16[%get3A_129, %get3A_130] {strides = array<i32>} : memref<384x128xf32, #tpu.memory_space<vmem>>, vector<1x16xf32>,
      %get3A_132 = vector.shape_cast %get3A_131 : vector<1x16xf32> to vector<16xf32>
      %mul3A_133 = arith.mulf %broadcast_in_dim3A, %get3A_132 : vector<16xf32>
      %add3A_134 = arith.constant 128 : i32
      %add3A_135 = arith.addi %add3A_134, %scan3A_89 : i32
      %get3A_136 = arith.index_cast %add3A_135 : i32 to index
      %get3A_137 = arith.constant 16 : index
      %get3A_138 = tpu.vector_load %arg16[%get3A_136, %get3A_137] {strides = array<i32>} : memref<384x128xf32, #tpu.memory_space<vmem>>, vector<1x16xf32>,
      %get3A_139 = vector.shape_cast %get3A_138 : vector<1x16xf32> to vector<16xf32>
      %mul3A_140 = arith.mulf %broadcast_in_dim3A_97, %get3A_139 : vector<16xf32>
      %add3A_141 = arith.addf %mul3A_133, %mul3A_140 : vector<16xf32>
      %add3A_142 = arith.constant 256 : i32
      %add3A_143 = arith.addi %add3A_142, %scan3A_89 : i32
      %get3A_144 = arith.index_cast %add3A_143 : i32 to index
      %get3A_145 = arith.constant 16 : index
      %get3A_146 = tpu.vector_load %arg16[%get3A_144, %get3A_145] {strides = array<i32>} : memref<384x128xf32, #tpu.memory_space<vmem>>, vector<1x16xf32>,
      %get3A_147 = vector.shape_cast %get3A_146 : vector<1x16xf32> to vector<16xf32>
      %mul3A_148 = arith.mulf %broadcast_in_dim3A_103, %get3A_147 : vector<16xf32>
      %add3A_149 = arith.addf %add3A_141, %mul3A_148 : vector<16xf32>
      %swap3A_150 = arith.index_cast %scan3A_89 : i32 to index
      %swap3A_151 = arith.constant 16 : index
      %swap3A_152 = tpu.vector_load %arg17[%swap3A_150, %swap3A_151] {strides = array<i32>} : memref<128x128xf32, #tpu.memory_space<vmem>>, vector<1x16xf32>,
      %swap3A_153 = vector.shape_cast %swap3A_152 : vector<1x16xf32> to vector<16xf32>
      %swap3A_154 = vector.shape_cast %add3A_149 : vector<16xf32> to vector<1x16xf32>
      tpu.vector_store %arg17[%swap3A_150, %swap3A_151], %swap3A_154 {strides = array<i32>} : memref<128x128xf32, #tpu.memory_space<vmem>>, vector<1x16xf32>,
      %get3A_155 = arith.index_cast %scan3A_89 : i32 to index
      %get3A_156 = arith.constant 32 : index
      %get3A_157 = tpu.vector_load %arg16[%get3A_155, %get3A_156] {strides = array<i32>} : memref<384x128xf32, #tpu.memory_space<vmem>>, vector<1x16xf32>,
      %get3A_158 = vector.shape_cast %get3A_157 : vector<1x16xf32> to vector<16xf32>
      %mul3A_159 = arith.mulf %broadcast_in_dim3A, %get3A_158 : vector<16xf32>
      %add3A_160 = arith.constant 128 : i32
      %add3A_161 = arith.addi %add3A_160, %scan3A_89 : i32
      %get3A_162 = arith.index_cast %add3A_161 : i32 to index
      %get3A_163 = arith.constant 32 : index
      %get3A_164 = tpu.vector_load %arg16[%get3A_162, %get3A_163] {strides = array<i32>} : memref<384x128xf32, #tpu.memory_space<vmem>>, vector<1x16xf32>,
      %get3A_165 = vector.shape_cast %get3A_164 : vector<1x16xf32> to vector<16xf32>
      %mul3A_166 = arith.mulf %broadcast_in_dim3A_97, %get3A_165 : vector<16xf32>
      %add3A_167 = arith.addf %mul3A_159, %mul3A_166 : vector<16xf32>
      %add3A_168 = arith.constant 256 : i32
      %add3A_169 = arith.addi %add3A_168, %scan3A_89 : i32
      %get3A_170 = arith.index_cast %add3A_169 : i32 to index
      %get3A_171 = arith.constant 32 : index
      %get3A_172 = tpu.vector_load %arg16[%get3A_170, %get3A_171] {strides = array<i32>} : memref<384x128xf32, #tpu.memory_space<vmem>>, vector<1x16xf32>,
      %get3A_173 = vector.shape_cast %get3A_172 : vector<1x16xf32> to vector<16xf32>
      %mul3A_174 = arith.mulf %broadcast_in_dim3A_103, %get3A_173 : vector<16xf32>
      %add3A_175 = arith.addf %add3A_167, %mul3A_174 : vector<16xf32>
      %swap3A_176 = arith.index_cast %scan3A_89 : i32 to index
      %swap3A_177 = arith.constant 32 : index
      %swap3A_178 = tpu.vector_load %arg17[%swap3A_176, %swap3A_177] {strides = array<i32>} : memref<128x128xf32, #tpu.memory_space<vmem>>, vector<1x16xf32>,
      %swap3A_179 = vector.shape_cast %swap3A_178 : vector<1x16xf32> to vector<16xf32>
      %swap3A_180 = vector.shape_cast %add3A_175 : vector<16xf32> to vector<1x16xf32>
      tpu.vector_store %arg17[%swap3A_176, %swap3A_177], %swap3A_180 {strides = array<i32>} : memref<128x128xf32, #tpu.memory_space<vmem>>, vector<1x16xf32>,
      %get3A_181 = arith.index_cast %scan3A_89 : i32 to index
      %get3A_182 = arith.constant 48 : index
      %get3A_183 = tpu.vector_load %arg16[%get3A_181, %get3A_182] {strides = array<i32>} : memref<384x128xf32, #tpu.memory_space<vmem>>, vector<1x16xf32>,
      %get3A_184 = vector.shape_cast %get3A_183 : vector<1x16xf32> to vector<16xf32>
      %mul3A_185 = arith.mulf %broadcast_in_dim3A, %get3A_184 : vector<16xf32>
      %add3A_186 = arith.constant 128 : i32
      %add3A_187 = arith.addi %add3A_186, %scan3A_89 : i32
      %get3A_188 = arith.index_cast %add3A_187 : i32 to index
      %get3A_189 = arith.constant 48 : index
      %get3A_190 = tpu.vector_load %arg16[%get3A_188, %get3A_189] {strides = array<i32>} : memref<384x128xf32, #tpu.memory_space<vmem>>, vector<1x16xf32>,
      %get3A_191 = vector.shape_cast %get3A_190 : vector<1x16xf32> to vector<16xf32>
      %mul3A_192 = arith.mulf %broadcast_in_dim3A_97, %get3A_191 : vector<16xf32>
      %add3A_193 = arith.addf %mul3A_185, %mul3A_192 : vector<16xf32>
      %add3A_194 = arith.constant 256 : i32
      %add3A_195 = arith.addi %add3A_194, %scan3A_89 : i32
      %get3A_196 = arith.index_cast %add3A_195 : i32 to index
      %get3A_197 = arith.constant 48 : index
      %get3A_198 = tpu.vector_load %arg16[%get3A_196, %get3A_197] {strides = array<i32>} : memref<384x128xf32, #tpu.memory_space<vmem>>, vector<1x16xf32>,
      %get3A_199 = vector.shape_cast %get3A_198 : vector<1x16xf32> to vector<16xf32>
      %mul3A_200 = arith.mulf %broadcast_in_dim3A_103, %get3A_199 : vector<16xf32>
      %add3A_201 = arith.addf %add3A_193, %mul3A_200 : vector<16xf32>
      %swap3A_202 = arith.index_cast %scan3A_89 : i32 to index
      %swap3A_203 = arith.constant 48 : index
      %swap3A_204 = tpu.vector_load %arg17[%swap3A_202, %swap3A_203] {strides = array<i32>} : memref<128x128xf32, #tpu.memory_space<vmem>>, vector<1x16xf32>,
      %swap3A_205 = vector.shape_cast %swap3A_204 : vector<1x16xf32> to vector<16xf32>
      %swap3A_206 = vector.shape_cast %add3A_201 : vector<16xf32> to vector<1x16xf32>
      tpu.vector_store %arg17[%swap3A_202, %swap3A_203], %swap3A_206 {strides = array<i32>} : memref<128x128xf32, #tpu.memory_space<vmem>>, vector<1x16xf32>,
      %get3A_207 = arith.index_cast %scan3A_89 : i32 to index
      %get3A_208 = arith.constant 64 : index
      %get3A_209 = tpu.vector_load %arg16[%get3A_207, %get3A_208] {strides = array<i32>} : memref<384x128xf32, #tpu.memory_space<vmem>>, vector<1x16xf32>,
      %get3A_210 = vector.shape_cast %get3A_209 : vector<1x16xf32> to vector<16xf32>
      %mul3A_211 = arith.mulf %broadcast_in_dim3A, %get3A_210 : vector<16xf32>
      %add3A_212 = arith.constant 128 : i32
      %add3A_213 = arith.addi %add3A_212, %scan3A_89 : i32
      %get3A_214 = arith.index_cast %add3A_213 : i32 to index
      %get3A_215 = arith.constant 64 : index
      %get3A_216 = tpu.vector_load %arg16[%get3A_214, %get3A_215] {strides = array<i32>} : memref<384x128xf32, #tpu.memory_space<vmem>>, vector<1x16xf32>,
      %get3A_217 = vector.shape_cast %get3A_216 : vector<1x16xf32> to vector<16xf32>
      %mul3A_218 = arith.mulf %broadcast_in_dim3A_97, %get3A_217 : vector<16xf32>
      %add3A_219 = arith.addf %mul3A_211, %mul3A_218 : vector<16xf32>
      %add3A_220 = arith.constant 256 : i32
      %add3A_221 = arith.addi %add3A_220, %scan3A_89 : i32
      %get3A_222 = arith.index_cast %add3A_221 : i32 to index
      %get3A_223 = arith.constant 64 : index
      %get3A_224 = tpu.vector_load %arg16[%get3A_222, %get3A_223] {strides = array<i32>} : memref<384x128xf32, #tpu.memory_space<vmem>>, vector<1x16xf32>,
      %get3A_225 = vector.shape_cast %get3A_224 : vector<1x16xf32> to vector<16xf32>
      %mul3A_226 = arith.mulf %broadcast_in_dim3A_103, %get3A_225 : vector<16xf32>
      %add3A_227 = arith.addf %add3A_219, %mul3A_226 : vector<16xf32>
      %swap3A_228 = arith.index_cast %scan3A_89 : i32 to index
      %swap3A_229 = arith.constant 64 : index
      %swap3A_230 = tpu.vector_load %arg17[%swap3A_228, %swap3A_229] {strides = array<i32>} : memref<128x128xf32, #tpu.memory_space<vmem>>, vector<1x16xf32>,
      %swap3A_231 = vector.shape_cast %swap3A_230 : vector<1x16xf32> to vector<16xf32>
      %swap3A_232 = vector.shape_cast %add3A_227 : vector<16xf32> to vector<1x16xf32>
      tpu.vector_store %arg17[%swap3A_228, %swap3A_229], %swap3A_232 {strides = array<i32>} : memref<128x128xf32, #tpu.memory_space<vmem>>, vector<1x16xf32>,
      %get3A_233 = arith.index_cast %scan3A_89 : i32 to index
      %get3A_234 = arith.constant 80 : index
      %get3A_235 = tpu.vector_load %arg16[%get3A_233, %get3A_234] {strides = array<i32>} : memref<384x128xf32, #tpu.memory_space<vmem>>, vector<1x16xf32>,
      %get3A_236 = vector.shape_cast %get3A_235 : vector<1x16xf32> to vector<16xf32>
      %mul3A_237 = arith.mulf %broadcast_in_dim3A, %get3A_236 : vector<16xf32>
      %add3A_238 = arith.constant 128 : i32
      %add3A_239 = arith.addi %add3A_238, %scan3A_89 : i32
      %get3A_240 = arith.index_cast %add3A_239 : i32 to index
      %get3A_241 = arith.constant 80 : index
      %get3A_242 = tpu.vector_load %arg16[%get3A_240, %get3A_241] {strides = array<i32>} : memref<384x128xf32, #tpu.memory_space<vmem>>, vector<1x16xf32>,
      %get3A_243 = vector.shape_cast %get3A_242 : vector<1x16xf32> to vector<16xf32>
      %mul3A_244 = arith.mulf %broadcast_in_dim3A_97, %get3A_243 : vector<16xf32>
      %add3A_245 = arith.addf %mul3A_237, %mul3A_244 : vector<16xf32>
      %add3A_246 = arith.constant 256 : i32
      %add3A_247 = arith.addi %add3A_246, %scan3A_89 : i32
      %get3A_248 = arith.index_cast %add3A_247 : i32 to index
      %get3A_249 = arith.constant 80 : index
      %get3A_250 = tpu.vector_load %arg16[%get3A_248, %get3A_249] {strides = array<i32>} : memref<384x128xf32, #tpu.memory_space<vmem>>, vector<1x16xf32>,
      %get3A_251 = vector.shape_cast %get3A_250 : vector<1x16xf32> to vector<16xf32>
      %mul3A_252 = arith.mulf %broadcast_in_dim3A_103, %get3A_251 : vector<16xf32>
      %add3A_253 = arith.addf %add3A_245, %mul3A_252 : vector<16xf32>
      %swap3A_254 = arith.index_cast %scan3A_89 : i32 to index
      %swap3A_255 = arith.constant 80 : index
      %swap3A_256 = tpu.vector_load %arg17[%swap3A_254, %swap3A_255] {strides = array<i32>} : memref<128x128xf32, #tpu.memory_space<vmem>>, vector<1x16xf32>,
      %swap3A_257 = vector.shape_cast %swap3A_256 : vector<1x16xf32> to vector<16xf32>
      %swap3A_258 = vector.shape_cast %add3A_253 : vector<16xf32> to vector<1x16xf32>
      tpu.vector_store %arg17[%swap3A_254, %swap3A_255], %swap3A_258 {strides = array<i32>} : memref<128x128xf32, #tpu.memory_space<vmem>>, vector<1x16xf32>,
      %get3A_259 = arith.index_cast %scan3A_89 : i32 to index
      %get3A_260 = arith.constant 96 : index
      %get3A_261 = tpu.vector_load %arg16[%get3A_259, %get3A_260] {strides = array<i32>} : memref<384x128xf32, #tpu.memory_space<vmem>>, vector<1x16xf32>,
      %get3A_262 = vector.shape_cast %get3A_261 : vector<1x16xf32> to vector<16xf32>
      %mul3A_263 = arith.mulf %broadcast_in_dim3A, %get3A_262 : vector<16xf32>
      %add3A_264 = arith.constant 128 : i32
      %add3A_265 = arith.addi %add3A_264, %scan3A_89 : i32
      %get3A_266 = arith.index_cast %add3A_265 : i32 to index
      %get3A_267 = arith.constant 96 : index
      %get3A_268 = tpu.vector_load %arg16[%get3A_266, %get3A_267] {strides = array<i32>} : memref<384x128xf32, #tpu.memory_space<vmem>>, vector<1x16xf32>,
      %get3A_269 = vector.shape_cast %get3A_268 : vector<1x16xf32> to vector<16xf32>
      %mul3A_270 = arith.mulf %broadcast_in_dim3A_97, %get3A_269 : vector<16xf32>
      %add3A_271 = arith.addf %mul3A_263, %mul3A_270 : vector<16xf32>
      %add3A_272 = arith.constant 256 : i32
      %add3A_273 = arith.addi %add3A_272, %scan3A_89 : i32
      %get3A_274 = arith.index_cast %add3A_273 : i32 to index
      %get3A_275 = arith.constant 96 : index
      %get3A_276 = tpu.vector_load %arg16[%get3A_274, %get3A_275] {strides = array<i32>} : memref<384x128xf32, #tpu.memory_space<vmem>>, vector<1x16xf32>,
      %get3A_277 = vector.shape_cast %get3A_276 : vector<1x16xf32> to vector<16xf32>
      %mul3A_278 = arith.mulf %broadcast_in_dim3A_103, %get3A_277 : vector<16xf32>
      %add3A_279 = arith.addf %add3A_271, %mul3A_278 : vector<16xf32>
      %swap3A_280 = arith.index_cast %scan3A_89 : i32 to index
      %swap3A_281 = arith.constant 96 : index
      %swap3A_282 = tpu.vector_load %arg17[%swap3A_280, %swap3A_281] {strides = array<i32>} : memref<128x128xf32, #tpu.memory_space<vmem>>, vector<1x16xf32>,
      %swap3A_283 = vector.shape_cast %swap3A_282 : vector<1x16xf32> to vector<16xf32>
      %swap3A_284 = vector.shape_cast %add3A_279 : vector<16xf32> to vector<1x16xf32>
      tpu.vector_store %arg17[%swap3A_280, %swap3A_281], %swap3A_284 {strides = array<i32>} : memref<128x128xf32, #tpu.memory_space<vmem>>, vector<1x16xf32>,
      %get3A_285 = arith.index_cast %scan3A_89 : i32 to index
      %get3A_286 = arith.constant 112 : index
      %get3A_287 = tpu.vector_load %arg16[%get3A_285, %get3A_286] {strides = array<i32>} : memref<384x128xf32, #tpu.memory_space<vmem>>, vector<1x16xf32>,
      %get3A_288 = vector.shape_cast %get3A_287 : vector<1x16xf32> to vector<16xf32>
      %mul3A_289 = arith.mulf %broadcast_in_dim3A, %get3A_288 : vector<16xf32>
      %add3A_290 = arith.constant 128 : i32
      %add3A_291 = arith.addi %add3A_290, %scan3A_89 : i32
      %get3A_292 = arith.index_cast %add3A_291 : i32 to index
      %get3A_293 = arith.constant 112 : index
      %get3A_294 = tpu.vector_load %arg16[%get3A_292, %get3A_293] {strides = array<i32>} : memref<384x128xf32, #tpu.memory_space<vmem>>, vector<1x16xf32>,
      %get3A_295 = vector.shape_cast %get3A_294 : vector<1x16xf32> to vector<16xf32>
      %mul3A_296 = arith.mulf %broadcast_in_dim3A_97, %get3A_295 : vector<16xf32>
      %add3A_297 = arith.addf %mul3A_289, %mul3A_296 : vector<16xf32>
      %add3A_298 = arith.constant 256 : i32
      %add3A_299 = arith.addi %add3A_298, %scan3A_89 : i32
      %get3A_300 = arith.index_cast %add3A_299 : i32 to index
      %get3A_301 = arith.constant 112 : index
      %get3A_302 = tpu.vector_load %arg16[%get3A_300, %get3A_301] {strides = array<i32>} : memref<384x128xf32, #tpu.memory_space<vmem>>, vector<1x16xf32>,
      %get3A_303 = vector.shape_cast %get3A_302 : vector<1x16xf32> to vector<16xf32>
      %mul3A_304 = arith.mulf %broadcast_in_dim3A_103, %get3A_303 : vector<16xf32>
      %add3A_305 = arith.addf %add3A_297, %mul3A_304 : vector<16xf32>
      %swap3A_306 = arith.index_cast %scan3A_89 : i32 to index
      %swap3A_307 = arith.constant 112 : index
      %swap3A_308 = tpu.vector_load %arg17[%swap3A_306, %swap3A_307] {strides = array<i32>} : memref<128x128xf32, #tpu.memory_space<vmem>>, vector<1x16xf32>,
      %swap3A_309 = vector.shape_cast %swap3A_308 : vector<1x16xf32> to vector<16xf32>
      %swap3A_310 = vector.shape_cast %add3A_305 : vector<16xf32> to vector<1x16xf32>
      tpu.vector_store %arg17[%swap3A_306, %swap3A_307], %swap3A_310 {strides = array<i32>} : memref<128x128xf32, #tpu.memory_space<vmem>>, vector<1x16xf32>,
    }
    %scan3A_88 = arith.constant 128 : i32
    "tpu.region"() ({
      %run_scoped3A = tpu.sem_alloc : memref<!tpu.dma_semaphore, #tpu.memory_space<semaphore_mem>>
      %dma_start3A_89 = arith.constant 0 : i32
      %dma_start3A_90 = tpu.memref_slice %arg9[%mul3A_2, %dma_start3A_89] : memref<4096x128xf32, #tpu.memory_space<hbm>> -> memref<128x128xf32, #tpu.memory_space<hbm>>
      %dma_start3A_91 = arith.constant 0 : i32
      %dma_start3A_92 = tpu.memref_slice %arg9[%mul3A_2, %dma_start3A_91] : memref<4096x128xf32, #tpu.memory_space<hbm>> -> memref<128x128xf32, #tpu.memory_space<hbm>>
      tpu.enqueue_dma source(%arg17 : memref<128x128xf32, #tpu.memory_space<vmem>>) target(%dma_start3A_92 : memref<128x128xf32, #tpu.memory_space<hbm>>) target_semaphore(%run_scoped3A : memref<!tpu.dma_semaphore, #tpu.memory_space<semaphore_mem>>)
      %dma_wait3A_93 = arith.constant 0 : i32
      %dma_wait3A_94 = tpu.memref_slice %arg9[%mul3A_2, %dma_wait3A_93] : memref<4096x128xf32, #tpu.memory_space<hbm>> -> memref<128x128xf32, #tpu.memory_space<hbm>>
      %dma_wait3A_95 = arith.constant 0 : i32
      %dma_wait3A_96 = tpu.memref_slice %arg9[%mul3A_2, %dma_wait3A_95] : memref<4096x128xf32, #tpu.memory_space<hbm>> -> memref<128x128xf32, #tpu.memory_space<hbm>>
      tpu.wait_dma2 semaphore(%run_scoped3A : memref<!tpu.dma_semaphore, #tpu.memory_space<semaphore_mem>>) src(%arg17 : memref<128x128xf32, #tpu.memory_space<vmem>>) dst(%dma_wait3A_96 : memref<128x128xf32, #tpu.memory_space<hbm>>)
      tpu.yield
    }) : () -> ()
    return
  }
}

#map = affine_map<(d0, d1) -> (0, 0)>
#map1 = affine_map<(d0, d1) -> (0)>
module attributes {stable_mosaic.version = 14 : i64} {
  func.func @_gather_body(%arg0: i32, %arg1: i32, %arg2: memref<16384x128xf32, #tpu.memory_space<hbm>>, %arg3: memref<4096xi32, #tpu.memory_space<hbm>>, %arg4: memref<4096xi32, #tpu.memory_space<hbm>>, %arg5: memref<4096xi32, #tpu.memory_space<hbm>>, %arg6: memref<4096xf32, #tpu.memory_space<hbm>>, %arg7: memref<4096xf32, #tpu.memory_space<hbm>>, %arg8: memref<4096xf32, #tpu.memory_space<hbm>>, %arg9: memref<4096x128xf32, #tpu.memory_space<hbm>>, %arg10: memref<128xi32, #tpu.memory_space<vmem>>, %arg11: memref<128xi32, #tpu.memory_space<vmem>>, %arg12: memref<128xi32, #tpu.memory_space<vmem>>, %arg13: memref<144xf32, #tpu.memory_space<vmem>>, %arg14: memref<144xf32, #tpu.memory_space<vmem>>, %arg15: memref<144xf32, #tpu.memory_space<vmem>>, %arg16: memref<384x128xf32, #tpu.memory_space<vmem>>, %arg17: memref<128x128xf32, #tpu.memory_space<vmem>>, %arg18: memref<!tpu.dma_semaphore, #tpu.memory_space<semaphore_mem>>) attributes {dimension_semantics = [#tpu.dimension_semantics<core_parallel>, #tpu.dimension_semantics<subcore_parallel>], iteration_bounds = array<i64: 2, 16>, scalar_prefetch = 0 : i64, scratch_operands = 9 : i64, tpu.core_type = #tpu.core_type<sc_vector_subcore>, window_params = [{transform_indices = #map}, {transform_indices = #map1}, {transform_indices = #map1}, {transform_indices = #map1}, {transform_indices = #map1}, {transform_indices = #map1}, {transform_indices = #map1}, {transform_indices = #map}]} {
    %mul3A = arith.constant 2 : i32
    %mul3A_0 = arith.muli %arg1, %mul3A : i32
    %add3A = arith.addi %mul3A_0, %arg0 : i32
    %mul3A_1 = arith.constant 128 : i32
    %mul3A_2 = arith.muli %add3A, %mul3A_1 : i32
    %dma_start3A = tpu.memref_slice %arg3[%mul3A_2] : memref<4096xi32, #tpu.memory_space<hbm>> -> memref<128xi32, #tpu.memory_space<hbm>>
    %dma_start3A_3 = tpu.memref_slice %arg3[%mul3A_2] : memref<4096xi32, #tpu.memory_space<hbm>> -> memref<128xi32, #tpu.memory_space<hbm>>
    tpu.enqueue_dma source(%dma_start3A_3 : memref<128xi32, #tpu.memory_space<hbm>>) target(%arg10 : memref<128xi32, #tpu.memory_space<vmem>>) target_semaphore(%arg18 : memref<!tpu.dma_semaphore, #tpu.memory_space<semaphore_mem>>)
    %dma_start3A_4 = tpu.memref_slice %arg4[%mul3A_2] : memref<4096xi32, #tpu.memory_space<hbm>> -> memref<128xi32, #tpu.memory_space<hbm>>
    %dma_start3A_5 = tpu.memref_slice %arg4[%mul3A_2] : memref<4096xi32, #tpu.memory_space<hbm>> -> memref<128xi32, #tpu.memory_space<hbm>>
    tpu.enqueue_dma source(%dma_start3A_5 : memref<128xi32, #tpu.memory_space<hbm>>) target(%arg11 : memref<128xi32, #tpu.memory_space<vmem>>) target_semaphore(%arg18 : memref<!tpu.dma_semaphore, #tpu.memory_space<semaphore_mem>>)
    %dma_start3A_6 = tpu.memref_slice %arg5[%mul3A_2] : memref<4096xi32, #tpu.memory_space<hbm>> -> memref<128xi32, #tpu.memory_space<hbm>>
    %dma_start3A_7 = tpu.memref_slice %arg5[%mul3A_2] : memref<4096xi32, #tpu.memory_space<hbm>> -> memref<128xi32, #tpu.memory_space<hbm>>
    tpu.enqueue_dma source(%dma_start3A_7 : memref<128xi32, #tpu.memory_space<hbm>>) target(%arg12 : memref<128xi32, #tpu.memory_space<vmem>>) target_semaphore(%arg18 : memref<!tpu.dma_semaphore, #tpu.memory_space<semaphore_mem>>)
    %dma_start3A_8 = arith.constant 0 : i32
    %dma_start3A_9 = tpu.memref_slice %arg13[%dma_start3A_8] : memref<144xf32, #tpu.memory_space<vmem>> -> memref<128xf32, #tpu.memory_space<vmem>>
    %dma_start3A_10 = tpu.memref_slice %arg6[%mul3A_2] : memref<4096xf32, #tpu.memory_space<hbm>> -> memref<128xf32, #tpu.memory_space<hbm>>
    %dma_start3A_11 = arith.constant 0 : i32
    %dma_start3A_12 = tpu.memref_slice %arg13[%dma_start3A_11] : memref<144xf32, #tpu.memory_space<vmem>> -> memref<128xf32, #tpu.memory_space<vmem>>
    %dma_start3A_13 = tpu.memref_slice %arg6[%mul3A_2] : memref<4096xf32, #tpu.memory_space<hbm>> -> memref<128xf32, #tpu.memory_space<hbm>>
    tpu.enqueue_dma source(%dma_start3A_13 : memref<128xf32, #tpu.memory_space<hbm>>) target(%dma_start3A_12 : memref<128xf32, #tpu.memory_space<vmem>>) target_semaphore(%arg18 : memref<!tpu.dma_semaphore, #tpu.memory_space<semaphore_mem>>)
    %dma_start3A_14 = arith.constant 0 : i32
    %dma_start3A_15 = tpu.memref_slice %arg14[%dma_start3A_14] : memref<144xf32, #tpu.memory_space<vmem>> -> memref<128xf32, #tpu.memory_space<vmem>>
    %dma_start3A_16 = tpu.memref_slice %arg7[%mul3A_2] : memref<4096xf32, #tpu.memory_space<hbm>> -> memref<128xf32, #tpu.memory_space<hbm>>
    %dma_start3A_17 = arith.constant 0 : i32
    %dma_start3A_18 = tpu.memref_slice %arg14[%dma_start3A_17] : memref<144xf32, #tpu.memory_space<vmem>> -> memref<128xf32, #tpu.memory_space<vmem>>
    %dma_start3A_19 = tpu.memref_slice %arg7[%mul3A_2] : memref<4096xf32, #tpu.memory_space<hbm>> -> memref<128xf32, #tpu.memory_space<hbm>>
    tpu.enqueue_dma source(%dma_start3A_19 : memref<128xf32, #tpu.memory_space<hbm>>) target(%dma_start3A_18 : memref<128xf32, #tpu.memory_space<vmem>>) target_semaphore(%arg18 : memref<!tpu.dma_semaphore, #tpu.memory_space<semaphore_mem>>)
    %dma_start3A_20 = arith.constant 0 : i32
    %dma_start3A_21 = tpu.memref_slice %arg15[%dma_start3A_20] : memref<144xf32, #tpu.memory_space<vmem>> -> memref<128xf32, #tpu.memory_space<vmem>>
    %dma_start3A_22 = tpu.memref_slice %arg8[%mul3A_2] : memref<4096xf32, #tpu.memory_space<hbm>> -> memref<128xf32, #tpu.memory_space<hbm>>
    %dma_start3A_23 = arith.constant 0 : i32
    %dma_start3A_24 = tpu.memref_slice %arg15[%dma_start3A_23] : memref<144xf32, #tpu.memory_space<vmem>> -> memref<128xf32, #tpu.memory_space<vmem>>
    %dma_start3A_25 = tpu.memref_slice %arg8[%mul3A_2] : memref<4096xf32, #tpu.memory_space<hbm>> -> memref<128xf32, #tpu.memory_space<hbm>>
    tpu.enqueue_dma source(%dma_start3A_25 : memref<128xf32, #tpu.memory_space<hbm>>) target(%dma_start3A_24 : memref<128xf32, #tpu.memory_space<vmem>>) target_semaphore(%arg18 : memref<!tpu.dma_semaphore, #tpu.memory_space<semaphore_mem>>)
    %dma_wait3A = tpu.memref_slice %arg3[%mul3A_2] : memref<4096xi32, #tpu.memory_space<hbm>> -> memref<128xi32, #tpu.memory_space<hbm>>
    %dma_wait3A_26 = tpu.memref_slice %arg3[%mul3A_2] : memref<4096xi32, #tpu.memory_space<hbm>> -> memref<128xi32, #tpu.memory_space<hbm>>
    tpu.wait_dma2 semaphore(%arg18 : memref<!tpu.dma_semaphore, #tpu.memory_space<semaphore_mem>>) src(%dma_wait3A_26 : memref<128xi32, #tpu.memory_space<hbm>>) dst(%arg10 : memref<128xi32, #tpu.memory_space<vmem>>)
    %dma_wait3A_27 = tpu.memref_slice %arg4[%mul3A_2] : memref<4096xi32, #tpu.memory_space<hbm>> -> memref<128xi32, #tpu.memory_space<hbm>>
    %dma_wait3A_28 = tpu.memref_slice %arg4[%mul3A_2] : memref<4096xi32, #tpu.memory_space<hbm>> -> memref<128xi32, #tpu.memory_space<hbm>>
    tpu.wait_dma2 semaphore(%arg18 : memref<!tpu.dma_semaphore, #tpu.memory_space<semaphore_mem>>) src(%dma_wait3A_28 : memref<128xi32, #tpu.memory_space<hbm>>) dst(%arg11 : memref<128xi32, #tpu.memory_space<vmem>>)
    %dma_wait3A_29 = tpu.memref_slice %arg5[%mul3A_2] : memref<4096xi32, #tpu.memory_space<hbm>> -> memref<128xi32, #tpu.memory_space<hbm>>
    %dma_wait3A_30 = tpu.memref_slice %arg5[%mul3A_2] : memref<4096xi32, #tpu.memory_space<hbm>> -> memref<128xi32, #tpu.memory_space<hbm>>
    tpu.wait_dma2 semaphore(%arg18 : memref<!tpu.dma_semaphore, #tpu.memory_space<semaphore_mem>>) src(%dma_wait3A_30 : memref<128xi32, #tpu.memory_space<hbm>>) dst(%arg12 : memref<128xi32, #tpu.memory_space<vmem>>)
    %dma_wait3A_31 = arith.constant 0 : i32
    %dma_wait3A_32 = tpu.memref_slice %arg13[%dma_wait3A_31] : memref<144xf32, #tpu.memory_space<vmem>> -> memref<128xf32, #tpu.memory_space<vmem>>
    %dma_wait3A_33 = tpu.memref_slice %arg6[%mul3A_2] : memref<4096xf32, #tpu.memory_space<hbm>> -> memref<128xf32, #tpu.memory_space<hbm>>
    %dma_wait3A_34 = arith.constant 0 : i32
    %dma_wait3A_35 = tpu.memref_slice %arg13[%dma_wait3A_34] : memref<144xf32, #tpu.memory_space<vmem>> -> memref<128xf32, #tpu.memory_space<vmem>>
    %dma_wait3A_36 = tpu.memref_slice %arg6[%mul3A_2] : memref<4096xf32, #tpu.memory_space<hbm>> -> memref<128xf32, #tpu.memory_space<hbm>>
    tpu.wait_dma2 semaphore(%arg18 : memref<!tpu.dma_semaphore, #tpu.memory_space<semaphore_mem>>) src(%dma_wait3A_36 : memref<128xf32, #tpu.memory_space<hbm>>) dst(%dma_wait3A_35 : memref<128xf32, #tpu.memory_space<vmem>>)
    %dma_wait3A_37 = arith.constant 0 : i32
    %dma_wait3A_38 = tpu.memref_slice %arg14[%dma_wait3A_37] : memref<144xf32, #tpu.memory_space<vmem>> -> memref<128xf32, #tpu.memory_space<vmem>>
    %dma_wait3A_39 = tpu.memref_slice %arg7[%mul3A_2] : memref<4096xf32, #tpu.memory_space<hbm>> -> memref<128xf32, #tpu.memory_space<hbm>>
    %dma_wait3A_40 = arith.constant 0 : i32
    %dma_wait3A_41 = tpu.memref_slice %arg14[%dma_wait3A_40] : memref<144xf32, #tpu.memory_space<vmem>> -> memref<128xf32, #tpu.memory_space<vmem>>
    %dma_wait3A_42 = tpu.memref_slice %arg7[%mul3A_2] : memref<4096xf32, #tpu.memory_space<hbm>> -> memref<128xf32, #tpu.memory_space<hbm>>
    tpu.wait_dma2 semaphore(%arg18 : memref<!tpu.dma_semaphore, #tpu.memory_space<semaphore_mem>>) src(%dma_wait3A_42 : memref<128xf32, #tpu.memory_space<hbm>>) dst(%dma_wait3A_41 : memref<128xf32, #tpu.memory_space<vmem>>)
    %dma_wait3A_43 = arith.constant 0 : i32
    %dma_wait3A_44 = tpu.memref_slice %arg15[%dma_wait3A_43] : memref<144xf32, #tpu.memory_space<vmem>> -> memref<128xf32, #tpu.memory_space<vmem>>
    %dma_wait3A_45 = tpu.memref_slice %arg8[%mul3A_2] : memref<4096xf32, #tpu.memory_space<hbm>> -> memref<128xf32, #tpu.memory_space<hbm>>
    %dma_wait3A_46 = arith.constant 0 : i32
    %dma_wait3A_47 = tpu.memref_slice %arg15[%dma_wait3A_46] : memref<144xf32, #tpu.memory_space<vmem>> -> memref<128xf32, #tpu.memory_space<vmem>>
    %dma_wait3A_48 = tpu.memref_slice %arg8[%mul3A_2] : memref<4096xf32, #tpu.memory_space<hbm>> -> memref<128xf32, #tpu.memory_space<hbm>>
    tpu.wait_dma2 semaphore(%arg18 : memref<!tpu.dma_semaphore, #tpu.memory_space<semaphore_mem>>) src(%dma_wait3A_48 : memref<128xf32, #tpu.memory_space<hbm>>) dst(%dma_wait3A_47 : memref<128xf32, #tpu.memory_space<vmem>>)
    %dma_start3A_49 = arith.constant 0 : i32
    %dma_start3A_50 = arith.constant 0 : i32
    %dma_start3A_51 = tpu.memref_slice %arg16[%dma_start3A_49, %dma_start3A_50] : memref<384x128xf32, #tpu.memory_space<vmem>> -> memref<128x128xf32, #tpu.memory_space<vmem>>
    %dma_start3A_52 = arith.constant 0 : i32
    %dma_start3A_53 = arith.constant 0 : i32
    %dma_start3A_54 = tpu.memref_slice %arg2[%dma_start3A_52, %dma_start3A_53] : memref<16384x128xf32, #tpu.memory_space<hbm>> -> memref<16384x128xf32, #tpu.memory_space<hbm>>
    tpu.enqueue_indirect_dma source(%dma_start3A_54 : memref<16384x128xf32, #tpu.memory_space<hbm>>) target(%dma_start3A_51 : memref<128x128xf32, #tpu.memory_space<vmem>>) offsets(%arg10 : memref<128xi32, #tpu.memory_space<vmem>>) semaphore(%arg18 : memref<!tpu.dma_semaphore, #tpu.memory_space<semaphore_mem>>)
    %dma_start3A_55 = arith.constant 128 : i32
    %dma_start3A_56 = arith.constant 0 : i32
    %dma_start3A_57 = tpu.memref_slice %arg16[%dma_start3A_55, %dma_start3A_56] : memref<384x128xf32, #tpu.memory_space<vmem>> -> memref<128x128xf32, #tpu.memory_space<vmem>>
    %dma_start3A_58 = arith.constant 0 : i32
    %dma_start3A_59 = arith.constant 0 : i32
    %dma_start3A_60 = tpu.memref_slice %arg2[%dma_start3A_58, %dma_start3A_59] : memref<16384x128xf32, #tpu.memory_space<hbm>> -> memref<16384x128xf32, #tpu.memory_space<hbm>>
    tpu.enqueue_indirect_dma source(%dma_start3A_60 : memref<16384x128xf32, #tpu.memory_space<hbm>>) target(%dma_start3A_57 : memref<128x128xf32, #tpu.memory_space<vmem>>) offsets(%arg11 : memref<128xi32, #tpu.memory_space<vmem>>) semaphore(%arg18 : memref<!tpu.dma_semaphore, #tpu.memory_space<semaphore_mem>>)
    %dma_start3A_61 = arith.constant 256 : i32
    %dma_start3A_62 = arith.constant 0 : i32
    %dma_start3A_63 = tpu.memref_slice %arg16[%dma_start3A_61, %dma_start3A_62] : memref<384x128xf32, #tpu.memory_space<vmem>> -> memref<128x128xf32, #tpu.memory_space<vmem>>
    %dma_start3A_64 = arith.constant 0 : i32
    %dma_start3A_65 = arith.constant 0 : i32
    %dma_start3A_66 = tpu.memref_slice %arg2[%dma_start3A_64, %dma_start3A_65] : memref<16384x128xf32, #tpu.memory_space<hbm>> -> memref<16384x128xf32, #tpu.memory_space<hbm>>
    tpu.enqueue_indirect_dma source(%dma_start3A_66 : memref<16384x128xf32, #tpu.memory_space<hbm>>) target(%dma_start3A_63 : memref<128x128xf32, #tpu.memory_space<vmem>>) offsets(%arg12 : memref<128xi32, #tpu.memory_space<vmem>>) semaphore(%arg18 : memref<!tpu.dma_semaphore, #tpu.memory_space<semaphore_mem>>)
    %dma_wait3A_67 = arith.constant 0 : i32
    %dma_wait3A_68 = arith.constant 0 : i32
    %dma_wait3A_69 = tpu.memref_slice %arg16[%dma_wait3A_67, %dma_wait3A_68] : memref<384x128xf32, #tpu.memory_space<vmem>> -> memref<128x128xf32, #tpu.memory_space<vmem>>
    %dma_wait3A_70 = arith.constant 0 : i32
    %dma_wait3A_71 = arith.constant 0 : i32
    %dma_wait3A_72 = tpu.memref_slice %arg2[%dma_wait3A_70, %dma_wait3A_71] : memref<16384x128xf32, #tpu.memory_space<hbm>> -> memref<16384x128xf32, #tpu.memory_space<hbm>>
    tpu.wait_indirect_dma semaphore(%arg18 : memref<!tpu.dma_semaphore, #tpu.memory_space<semaphore_mem>>) src(%dma_wait3A_72 : memref<16384x128xf32, #tpu.memory_space<hbm>>) dst(%dma_wait3A_69 : memref<128x128xf32, #tpu.memory_space<vmem>>)
    %dma_wait3A_73 = arith.constant 128 : i32
    %dma_wait3A_74 = arith.constant 0 : i32
    %dma_wait3A_75 = tpu.memref_slice %arg16[%dma_wait3A_73, %dma_wait3A_74] : memref<384x128xf32, #tpu.memory_space<vmem>> -> memref<128x128xf32, #tpu.memory_space<vmem>>
    %dma_wait3A_76 = arith.constant 0 : i32
    %dma_wait3A_77 = arith.constant 0 : i32
    %dma_wait3A_78 = tpu.memref_slice %arg2[%dma_wait3A_76, %dma_wait3A_77] : memref<16384x128xf32, #tpu.memory_space<hbm>> -> memref<16384x128xf32, #tpu.memory_space<hbm>>
    tpu.wait_indirect_dma semaphore(%arg18 : memref<!tpu.dma_semaphore, #tpu.memory_space<semaphore_mem>>) src(%dma_wait3A_78 : memref<16384x128xf32, #tpu.memory_space<hbm>>) dst(%dma_wait3A_75 : memref<128x128xf32, #tpu.memory_space<vmem>>)
    %dma_wait3A_79 = arith.constant 256 : i32
    %dma_wait3A_80 = arith.constant 0 : i32
    %dma_wait3A_81 = tpu.memref_slice %arg16[%dma_wait3A_79, %dma_wait3A_80] : memref<384x128xf32, #tpu.memory_space<vmem>> -> memref<128x128xf32, #tpu.memory_space<vmem>>
    %dma_wait3A_82 = arith.constant 0 : i32
    %dma_wait3A_83 = arith.constant 0 : i32
    %dma_wait3A_84 = tpu.memref_slice %arg2[%dma_wait3A_82, %dma_wait3A_83] : memref<16384x128xf32, #tpu.memory_space<hbm>> -> memref<16384x128xf32, #tpu.memory_space<hbm>>
    tpu.wait_indirect_dma semaphore(%arg18 : memref<!tpu.dma_semaphore, #tpu.memory_space<semaphore_mem>>) src(%dma_wait3A_84 : memref<16384x128xf32, #tpu.memory_space<hbm>>) dst(%dma_wait3A_81 : memref<128x128xf32, #tpu.memory_space<vmem>>)
    %scan3A = arith.constant 0 : i32
    %scan3A_85 = arith.constant 128 : i32
    %scan3A_86 = arith.addi %scan3A, %scan3A_85 : i32
    %scan3A_87 = arith.constant 1 : i32
    scf.for %scan3A_89 = %scan3A to %scan3A_86 step %scan3A_87  : i32 {
      %get3A = arith.index_cast %scan3A_89 : i32 to index
      %get3A_90 = tpu.vector_load %arg13[%get3A] {strides = array<i32>} : memref<144xf32, #tpu.memory_space<vmem>>, vector<16xf32>,
      %get3A_91 = vector.shape_cast %get3A_90 : vector<16xf32> to vector<16xf32>
      %slice3A = vector.extract_strided_slice %get3A_91 {offsets = [0], sizes = [1], strides = [1]} : vector<16xf32> to vector<1xf32>
      %squeeze3A = vector.extract %slice3A[0] : f32 from vector<1xf32>
      %broadcast_in_dim3A = vector.broadcast %squeeze3A : f32 to vector<16xf32>
      %get3A_92 = arith.index_cast %scan3A_89 : i32 to index
      %get3A_93 = tpu.vector_load %arg14[%get3A_92] {strides = array<i32>} : memref<144xf32, #tpu.memory_space<vmem>>, vector<16xf32>,
      %get3A_94 = vector.shape_cast %get3A_93 : vector<16xf32> to vector<16xf32>
      %slice3A_95 = vector.extract_strided_slice %get3A_94 {offsets = [0], sizes = [1], strides = [1]} : vector<16xf32> to vector<1xf32>
      %squeeze3A_96 = vector.extract %slice3A_95[0] : f32 from vector<1xf32>
      %broadcast_in_dim3A_97 = vector.broadcast %squeeze3A_96 : f32 to vector<16xf32>
      %get3A_98 = arith.index_cast %scan3A_89 : i32 to index
      %get3A_99 = tpu.vector_load %arg15[%get3A_98] {strides = array<i32>} : memref<144xf32, #tpu.memory_space<vmem>>, vector<16xf32>,
      %get3A_100 = vector.shape_cast %get3A_99 : vector<16xf32> to vector<16xf32>
      %slice3A_101 = vector.extract_strided_slice %get3A_100 {offsets = [0], sizes = [1], strides = [1]} : vector<16xf32> to vector<1xf32>
      %squeeze3A_102 = vector.extract %slice3A_101[0] : f32 from vector<1xf32>
      %broadcast_in_dim3A_103 = vector.broadcast %squeeze3A_102 : f32 to vector<16xf32>
      %get3A_104 = arith.index_cast %scan3A_89 : i32 to index
      %get3A_105 = arith.constant 0 : index
      %get3A_106 = tpu.vector_load %arg16[%get3A_104, %get3A_105] {strides = array<i32>} : memref<384x128xf32, #tpu.memory_space<vmem>>, vector<1x16xf32>,
      %get3A_107 = vector.shape_cast %get3A_106 : vector<1x16xf32> to vector<16xf32>
      %mul3A_108 = arith.mulf %broadcast_in_dim3A, %get3A_107 : vector<16xf32>
      %add3A_109 = arith.constant 128 : i32
      %add3A_110 = arith.addi %add3A_109, %scan3A_89 : i32
      %get3A_111 = arith.index_cast %add3A_110 : i32 to index
      %get3A_112 = arith.constant 0 : index
      %get3A_113 = tpu.vector_load %arg16[%get3A_111, %get3A_112] {strides = array<i32>} : memref<384x128xf32, #tpu.memory_space<vmem>>, vector<1x16xf32>,
      %get3A_114 = vector.shape_cast %get3A_113 : vector<1x16xf32> to vector<16xf32>
      %mul3A_115 = arith.mulf %broadcast_in_dim3A_97, %get3A_114 : vector<16xf32>
      %add3A_116 = arith.addf %mul3A_108, %mul3A_115 : vector<16xf32>
      %add3A_117 = arith.constant 256 : i32
      %add3A_118 = arith.addi %add3A_117, %scan3A_89 : i32
      %get3A_119 = arith.index_cast %add3A_118 : i32 to index
      %get3A_120 = arith.constant 0 : index
      %get3A_121 = tpu.vector_load %arg16[%get3A_119, %get3A_120] {strides = array<i32>} : memref<384x128xf32, #tpu.memory_space<vmem>>, vector<1x16xf32>,
      %get3A_122 = vector.shape_cast %get3A_121 : vector<1x16xf32> to vector<16xf32>
      %mul3A_123 = arith.mulf %broadcast_in_dim3A_103, %get3A_122 : vector<16xf32>
      %add3A_124 = arith.addf %add3A_116, %mul3A_123 : vector<16xf32>
      %swap3A = arith.index_cast %scan3A_89 : i32 to index
      %swap3A_125 = arith.constant 0 : index
      %swap3A_126 = tpu.vector_load %arg17[%swap3A, %swap3A_125] {strides = array<i32>} : memref<128x128xf32, #tpu.memory_space<vmem>>, vector<1x16xf32>,
      %swap3A_127 = vector.shape_cast %swap3A_126 : vector<1x16xf32> to vector<16xf32>
      %swap3A_128 = vector.shape_cast %add3A_124 : vector<16xf32> to vector<1x16xf32>
      tpu.vector_store %arg17[%swap3A, %swap3A_125], %swap3A_128 {strides = array<i32>} : memref<128x128xf32, #tpu.memory_space<vmem>>, vector<1x16xf32>,
      %get3A_129 = arith.index_cast %scan3A_89 : i32 to index
      %get3A_130 = arith.constant 16 : index
      %get3A_131 = tpu.vector_load %arg16[%get3A_129, %get3A_130] {strides = array<i32>} : memref<384x128xf32, #tpu.memory_space<vmem>>, vector<1x16xf32>,
      %get3A_132 = vector.shape_cast %get3A_131 : vector<1x16xf32> to vector<16xf32>
      %mul3A_133 = arith.mulf %broadcast_in_dim3A, %get3A_132 : vector<16xf32>
      %add3A_134 = arith.constant 128 : i32
      %add3A_135 = arith.addi %add3A_134, %scan3A_89 : i32
      %get3A_136 = arith.index_cast %add3A_135 : i32 to index
      %get3A_137 = arith.constant 16 : index
      %get3A_138 = tpu.vector_load %arg16[%get3A_136, %get3A_137] {strides = array<i32>} : memref<384x128xf32, #tpu.memory_space<vmem>>, vector<1x16xf32>,
      %get3A_139 = vector.shape_cast %get3A_138 : vector<1x16xf32> to vector<16xf32>
      %mul3A_140 = arith.mulf %broadcast_in_dim3A_97, %get3A_139 : vector<16xf32>
      %add3A_141 = arith.addf %mul3A_133, %mul3A_140 : vector<16xf32>
      %add3A_142 = arith.constant 256 : i32
      %add3A_143 = arith.addi %add3A_142, %scan3A_89 : i32
      %get3A_144 = arith.index_cast %add3A_143 : i32 to index
      %get3A_145 = arith.constant 16 : index
      %get3A_146 = tpu.vector_load %arg16[%get3A_144, %get3A_145] {strides = array<i32>} : memref<384x128xf32, #tpu.memory_space<vmem>>, vector<1x16xf32>,
      %get3A_147 = vector.shape_cast %get3A_146 : vector<1x16xf32> to vector<16xf32>
      %mul3A_148 = arith.mulf %broadcast_in_dim3A_103, %get3A_147 : vector<16xf32>
      %add3A_149 = arith.addf %add3A_141, %mul3A_148 : vector<16xf32>
      %swap3A_150 = arith.index_cast %scan3A_89 : i32 to index
      %swap3A_151 = arith.constant 16 : index
      %swap3A_152 = tpu.vector_load %arg17[%swap3A_150, %swap3A_151] {strides = array<i32>} : memref<128x128xf32, #tpu.memory_space<vmem>>, vector<1x16xf32>,
      %swap3A_153 = vector.shape_cast %swap3A_152 : vector<1x16xf32> to vector<16xf32>
      %swap3A_154 = vector.shape_cast %add3A_149 : vector<16xf32> to vector<1x16xf32>
      tpu.vector_store %arg17[%swap3A_150, %swap3A_151], %swap3A_154 {strides = array<i32>} : memref<128x128xf32, #tpu.memory_space<vmem>>, vector<1x16xf32>,
      %get3A_155 = arith.index_cast %scan3A_89 : i32 to index
      %get3A_156 = arith.constant 32 : index
      %get3A_157 = tpu.vector_load %arg16[%get3A_155, %get3A_156] {strides = array<i32>} : memref<384x128xf32, #tpu.memory_space<vmem>>, vector<1x16xf32>,
      %get3A_158 = vector.shape_cast %get3A_157 : vector<1x16xf32> to vector<16xf32>
      %mul3A_159 = arith.mulf %broadcast_in_dim3A, %get3A_158 : vector<16xf32>
      %add3A_160 = arith.constant 128 : i32
      %add3A_161 = arith.addi %add3A_160, %scan3A_89 : i32
      %get3A_162 = arith.index_cast %add3A_161 : i32 to index
      %get3A_163 = arith.constant 32 : index
      %get3A_164 = tpu.vector_load %arg16[%get3A_162, %get3A_163] {strides = array<i32>} : memref<384x128xf32, #tpu.memory_space<vmem>>, vector<1x16xf32>,
      %get3A_165 = vector.shape_cast %get3A_164 : vector<1x16xf32> to vector<16xf32>
      %mul3A_166 = arith.mulf %broadcast_in_dim3A_97, %get3A_165 : vector<16xf32>
      %add3A_167 = arith.addf %mul3A_159, %mul3A_166 : vector<16xf32>
      %add3A_168 = arith.constant 256 : i32
      %add3A_169 = arith.addi %add3A_168, %scan3A_89 : i32
      %get3A_170 = arith.index_cast %add3A_169 : i32 to index
      %get3A_171 = arith.constant 32 : index
      %get3A_172 = tpu.vector_load %arg16[%get3A_170, %get3A_171] {strides = array<i32>} : memref<384x128xf32, #tpu.memory_space<vmem>>, vector<1x16xf32>,
      %get3A_173 = vector.shape_cast %get3A_172 : vector<1x16xf32> to vector<16xf32>
      %mul3A_174 = arith.mulf %broadcast_in_dim3A_103, %get3A_173 : vector<16xf32>
      %add3A_175 = arith.addf %add3A_167, %mul3A_174 : vector<16xf32>
      %swap3A_176 = arith.index_cast %scan3A_89 : i32 to index
      %swap3A_177 = arith.constant 32 : index
      %swap3A_178 = tpu.vector_load %arg17[%swap3A_176, %swap3A_177] {strides = array<i32>} : memref<128x128xf32, #tpu.memory_space<vmem>>, vector<1x16xf32>,
      %swap3A_179 = vector.shape_cast %swap3A_178 : vector<1x16xf32> to vector<16xf32>
      %swap3A_180 = vector.shape_cast %add3A_175 : vector<16xf32> to vector<1x16xf32>
      tpu.vector_store %arg17[%swap3A_176, %swap3A_177], %swap3A_180 {strides = array<i32>} : memref<128x128xf32, #tpu.memory_space<vmem>>, vector<1x16xf32>,
      %get3A_181 = arith.index_cast %scan3A_89 : i32 to index
      %get3A_182 = arith.constant 48 : index
      %get3A_183 = tpu.vector_load %arg16[%get3A_181, %get3A_182] {strides = array<i32>} : memref<384x128xf32, #tpu.memory_space<vmem>>, vector<1x16xf32>,
      %get3A_184 = vector.shape_cast %get3A_183 : vector<1x16xf32> to vector<16xf32>
      %mul3A_185 = arith.mulf %broadcast_in_dim3A, %get3A_184 : vector<16xf32>
      %add3A_186 = arith.constant 128 : i32
      %add3A_187 = arith.addi %add3A_186, %scan3A_89 : i32
      %get3A_188 = arith.index_cast %add3A_187 : i32 to index
      %get3A_189 = arith.constant 48 : index
      %get3A_190 = tpu.vector_load %arg16[%get3A_188, %get3A_189] {strides = array<i32>} : memref<384x128xf32, #tpu.memory_space<vmem>>, vector<1x16xf32>,
      %get3A_191 = vector.shape_cast %get3A_190 : vector<1x16xf32> to vector<16xf32>
      %mul3A_192 = arith.mulf %broadcast_in_dim3A_97, %get3A_191 : vector<16xf32>
      %add3A_193 = arith.addf %mul3A_185, %mul3A_192 : vector<16xf32>
      %add3A_194 = arith.constant 256 : i32
      %add3A_195 = arith.addi %add3A_194, %scan3A_89 : i32
      %get3A_196 = arith.index_cast %add3A_195 : i32 to index
      %get3A_197 = arith.constant 48 : index
      %get3A_198 = tpu.vector_load %arg16[%get3A_196, %get3A_197] {strides = array<i32>} : memref<384x128xf32, #tpu.memory_space<vmem>>, vector<1x16xf32>,
      %get3A_199 = vector.shape_cast %get3A_198 : vector<1x16xf32> to vector<16xf32>
      %mul3A_200 = arith.mulf %broadcast_in_dim3A_103, %get3A_199 : vector<16xf32>
      %add3A_201 = arith.addf %add3A_193, %mul3A_200 : vector<16xf32>
      %swap3A_202 = arith.index_cast %scan3A_89 : i32 to index
      %swap3A_203 = arith.constant 48 : index
      %swap3A_204 = tpu.vector_load %arg17[%swap3A_202, %swap3A_203] {strides = array<i32>} : memref<128x128xf32, #tpu.memory_space<vmem>>, vector<1x16xf32>,
      %swap3A_205 = vector.shape_cast %swap3A_204 : vector<1x16xf32> to vector<16xf32>
      %swap3A_206 = vector.shape_cast %add3A_201 : vector<16xf32> to vector<1x16xf32>
      tpu.vector_store %arg17[%swap3A_202, %swap3A_203], %swap3A_206 {strides = array<i32>} : memref<128x128xf32, #tpu.memory_space<vmem>>, vector<1x16xf32>,
      %get3A_207 = arith.index_cast %scan3A_89 : i32 to index
      %get3A_208 = arith.constant 64 : index
      %get3A_209 = tpu.vector_load %arg16[%get3A_207, %get3A_208] {strides = array<i32>} : memref<384x128xf32, #tpu.memory_space<vmem>>, vector<1x16xf32>,
      %get3A_210 = vector.shape_cast %get3A_209 : vector<1x16xf32> to vector<16xf32>
      %mul3A_211 = arith.mulf %broadcast_in_dim3A, %get3A_210 : vector<16xf32>
      %add3A_212 = arith.constant 128 : i32
      %add3A_213 = arith.addi %add3A_212, %scan3A_89 : i32
      %get3A_214 = arith.index_cast %add3A_213 : i32 to index
      %get3A_215 = arith.constant 64 : index
      %get3A_216 = tpu.vector_load %arg16[%get3A_214, %get3A_215] {strides = array<i32>} : memref<384x128xf32, #tpu.memory_space<vmem>>, vector<1x16xf32>,
      %get3A_217 = vector.shape_cast %get3A_216 : vector<1x16xf32> to vector<16xf32>
      %mul3A_218 = arith.mulf %broadcast_in_dim3A_97, %get3A_217 : vector<16xf32>
      %add3A_219 = arith.addf %mul3A_211, %mul3A_218 : vector<16xf32>
      %add3A_220 = arith.constant 256 : i32
      %add3A_221 = arith.addi %add3A_220, %scan3A_89 : i32
      %get3A_222 = arith.index_cast %add3A_221 : i32 to index
      %get3A_223 = arith.constant 64 : index
      %get3A_224 = tpu.vector_load %arg16[%get3A_222, %get3A_223] {strides = array<i32>} : memref<384x128xf32, #tpu.memory_space<vmem>>, vector<1x16xf32>,
      %get3A_225 = vector.shape_cast %get3A_224 : vector<1x16xf32> to vector<16xf32>
      %mul3A_226 = arith.mulf %broadcast_in_dim3A_103, %get3A_225 : vector<16xf32>
      %add3A_227 = arith.addf %add3A_219, %mul3A_226 : vector<16xf32>
      %swap3A_228 = arith.index_cast %scan3A_89 : i32 to index
      %swap3A_229 = arith.constant 64 : index
      %swap3A_230 = tpu.vector_load %arg17[%swap3A_228, %swap3A_229] {strides = array<i32>} : memref<128x128xf32, #tpu.memory_space<vmem>>, vector<1x16xf32>,
      %swap3A_231 = vector.shape_cast %swap3A_230 : vector<1x16xf32> to vector<16xf32>
      %swap3A_232 = vector.shape_cast %add3A_227 : vector<16xf32> to vector<1x16xf32>
      tpu.vector_store %arg17[%swap3A_228, %swap3A_229], %swap3A_232 {strides = array<i32>} : memref<128x128xf32, #tpu.memory_space<vmem>>, vector<1x16xf32>,
      %get3A_233 = arith.index_cast %scan3A_89 : i32 to index
      %get3A_234 = arith.constant 80 : index
      %get3A_235 = tpu.vector_load %arg16[%get3A_233, %get3A_234] {strides = array<i32>} : memref<384x128xf32, #tpu.memory_space<vmem>>, vector<1x16xf32>,
      %get3A_236 = vector.shape_cast %get3A_235 : vector<1x16xf32> to vector<16xf32>
      %mul3A_237 = arith.mulf %broadcast_in_dim3A, %get3A_236 : vector<16xf32>
      %add3A_238 = arith.constant 128 : i32
      %add3A_239 = arith.addi %add3A_238, %scan3A_89 : i32
      %get3A_240 = arith.index_cast %add3A_239 : i32 to index
      %get3A_241 = arith.constant 80 : index
      %get3A_242 = tpu.vector_load %arg16[%get3A_240, %get3A_241] {strides = array<i32>} : memref<384x128xf32, #tpu.memory_space<vmem>>, vector<1x16xf32>,
      %get3A_243 = vector.shape_cast %get3A_242 : vector<1x16xf32> to vector<16xf32>
      %mul3A_244 = arith.mulf %broadcast_in_dim3A_97, %get3A_243 : vector<16xf32>
      %add3A_245 = arith.addf %mul3A_237, %mul3A_244 : vector<16xf32>
      %add3A_246 = arith.constant 256 : i32
      %add3A_247 = arith.addi %add3A_246, %scan3A_89 : i32
      %get3A_248 = arith.index_cast %add3A_247 : i32 to index
      %get3A_249 = arith.constant 80 : index
      %get3A_250 = tpu.vector_load %arg16[%get3A_248, %get3A_249] {strides = array<i32>} : memref<384x128xf32, #tpu.memory_space<vmem>>, vector<1x16xf32>,
      %get3A_251 = vector.shape_cast %get3A_250 : vector<1x16xf32> to vector<16xf32>
      %mul3A_252 = arith.mulf %broadcast_in_dim3A_103, %get3A_251 : vector<16xf32>
      %add3A_253 = arith.addf %add3A_245, %mul3A_252 : vector<16xf32>
      %swap3A_254 = arith.index_cast %scan3A_89 : i32 to index
      %swap3A_255 = arith.constant 80 : index
      %swap3A_256 = tpu.vector_load %arg17[%swap3A_254, %swap3A_255] {strides = array<i32>} : memref<128x128xf32, #tpu.memory_space<vmem>>, vector<1x16xf32>,
      %swap3A_257 = vector.shape_cast %swap3A_256 : vector<1x16xf32> to vector<16xf32>
      %swap3A_258 = vector.shape_cast %add3A_253 : vector<16xf32> to vector<1x16xf32>
      tpu.vector_store %arg17[%swap3A_254, %swap3A_255], %swap3A_258 {strides = array<i32>} : memref<128x128xf32, #tpu.memory_space<vmem>>, vector<1x16xf32>,
      %get3A_259 = arith.index_cast %scan3A_89 : i32 to index
      %get3A_260 = arith.constant 96 : index
      %get3A_261 = tpu.vector_load %arg16[%get3A_259, %get3A_260] {strides = array<i32>} : memref<384x128xf32, #tpu.memory_space<vmem>>, vector<1x16xf32>,
      %get3A_262 = vector.shape_cast %get3A_261 : vector<1x16xf32> to vector<16xf32>
      %mul3A_263 = arith.mulf %broadcast_in_dim3A, %get3A_262 : vector<16xf32>
      %add3A_264 = arith.constant 128 : i32
      %add3A_265 = arith.addi %add3A_264, %scan3A_89 : i32
      %get3A_266 = arith.index_cast %add3A_265 : i32 to index
      %get3A_267 = arith.constant 96 : index
      %get3A_268 = tpu.vector_load %arg16[%get3A_266, %get3A_267] {strides = array<i32>} : memref<384x128xf32, #tpu.memory_space<vmem>>, vector<1x16xf32>,
      %get3A_269 = vector.shape_cast %get3A_268 : vector<1x16xf32> to vector<16xf32>
      %mul3A_270 = arith.mulf %broadcast_in_dim3A_97, %get3A_269 : vector<16xf32>
      %add3A_271 = arith.addf %mul3A_263, %mul3A_270 : vector<16xf32>
      %add3A_272 = arith.constant 256 : i32
      %add3A_273 = arith.addi %add3A_272, %scan3A_89 : i32
      %get3A_274 = arith.index_cast %add3A_273 : i32 to index
      %get3A_275 = arith.constant 96 : index
      %get3A_276 = tpu.vector_load %arg16[%get3A_274, %get3A_275] {strides = array<i32>} : memref<384x128xf32, #tpu.memory_space<vmem>>, vector<1x16xf32>,
      %get3A_277 = vector.shape_cast %get3A_276 : vector<1x16xf32> to vector<16xf32>
      %mul3A_278 = arith.mulf %broadcast_in_dim3A_103, %get3A_277 : vector<16xf32>
      %add3A_279 = arith.addf %add3A_271, %mul3A_278 : vector<16xf32>
      %swap3A_280 = arith.index_cast %scan3A_89 : i32 to index
      %swap3A_281 = arith.constant 96 : index
      %swap3A_282 = tpu.vector_load %arg17[%swap3A_280, %swap3A_281] {strides = array<i32>} : memref<128x128xf32, #tpu.memory_space<vmem>>, vector<1x16xf32>,
      %swap3A_283 = vector.shape_cast %swap3A_282 : vector<1x16xf32> to vector<16xf32>
      %swap3A_284 = vector.shape_cast %add3A_279 : vector<16xf32> to vector<1x16xf32>
      tpu.vector_store %arg17[%swap3A_280, %swap3A_281], %swap3A_284 {strides = array<i32>} : memref<128x128xf32, #tpu.memory_space<vmem>>, vector<1x16xf32>,
      %get3A_285 = arith.index_cast %scan3A_89 : i32 to index
      %get3A_286 = arith.constant 112 : index
      %get3A_287 = tpu.vector_load %arg16[%get3A_285, %get3A_286] {strides = array<i32>} : memref<384x128xf32, #tpu.memory_space<vmem>>, vector<1x16xf32>,
      %get3A_288 = vector.shape_cast %get3A_287 : vector<1x16xf32> to vector<16xf32>
      %mul3A_289 = arith.mulf %broadcast_in_dim3A, %get3A_288 : vector<16xf32>
      %add3A_290 = arith.constant 128 : i32
      %add3A_291 = arith.addi %add3A_290, %scan3A_89 : i32
      %get3A_292 = arith.index_cast %add3A_291 : i32 to index
      %get3A_293 = arith.constant 112 : index
      %get3A_294 = tpu.vector_load %arg16[%get3A_292, %get3A_293] {strides = array<i32>} : memref<384x128xf32, #tpu.memory_space<vmem>>, vector<1x16xf32>,
      %get3A_295 = vector.shape_cast %get3A_294 : vector<1x16xf32> to vector<16xf32>
      %mul3A_296 = arith.mulf %broadcast_in_dim3A_97, %get3A_295 : vector<16xf32>
      %add3A_297 = arith.addf %mul3A_289, %mul3A_296 : vector<16xf32>
      %add3A_298 = arith.constant 256 : i32
      %add3A_299 = arith.addi %add3A_298, %scan3A_89 : i32
      %get3A_300 = arith.index_cast %add3A_299 : i32 to index
      %get3A_301 = arith.constant 112 : index
      %get3A_302 = tpu.vector_load %arg16[%get3A_300, %get3A_301] {strides = array<i32>} : memref<384x128xf32, #tpu.memory_space<vmem>>, vector<1x16xf32>,
      %get3A_303 = vector.shape_cast %get3A_302 : vector<1x16xf32> to vector<16xf32>
      %mul3A_304 = arith.mulf %broadcast_in_dim3A_103, %get3A_303 : vector<16xf32>
      %add3A_305 = arith.addf %add3A_297, %mul3A_304 : vector<16xf32>
      %swap3A_306 = arith.index_cast %scan3A_89 : i32 to index
      %swap3A_307 = arith.constant 112 : index
      %swap3A_308 = tpu.vector_load %arg17[%swap3A_306, %swap3A_307] {strides = array<i32>} : memref<128x128xf32, #tpu.memory_space<vmem>>, vector<1x16xf32>,
      %swap3A_309 = vector.shape_cast %swap3A_308 : vector<1x16xf32> to vector<16xf32>
      %swap3A_310 = vector.shape_cast %add3A_305 : vector<16xf32> to vector<1x16xf32>
      tpu.vector_store %arg17[%swap3A_306, %swap3A_307], %swap3A_310 {strides = array<i32>} : memref<128x128xf32, #tpu.memory_space<vmem>>, vector<1x16xf32>,
    }
    %scan3A_88 = arith.constant 128 : i32
    "tpu.region"() ({
      %run_scoped3A = tpu.sem_alloc : memref<!tpu.dma_semaphore, #tpu.memory_space<semaphore_mem>>
      %dma_start3A_89 = arith.constant 0 : i32
      %dma_start3A_90 = tpu.memref_slice %arg9[%mul3A_2, %dma_start3A_89] : memref<4096x128xf32, #tpu.memory_space<hbm>> -> memref<128x128xf32, #tpu.memory_space<hbm>>
      %dma_start3A_91 = arith.constant 0 : i32
      %dma_start3A_92 = tpu.memref_slice %arg9[%mul3A_2, %dma_start3A_91] : memref<4096x128xf32, #tpu.memory_space<hbm>> -> memref<128x128xf32, #tpu.memory_space<hbm>>
      tpu.enqueue_dma source(%arg17 : memref<128x128xf32, #tpu.memory_space<vmem>>) target(%dma_start3A_92 : memref<128x128xf32, #tpu.memory_space<hbm>>) target_semaphore(%run_scoped3A : memref<!tpu.dma_semaphore, #tpu.memory_space<semaphore_mem>>)
      %dma_wait3A_93 = arith.constant 0 : i32
      %dma_wait3A_94 = tpu.memref_slice %arg9[%mul3A_2, %dma_wait3A_93] : memref<4096x128xf32, #tpu.memory_space<hbm>> -> memref<128x128xf32, #tpu.memory_space<hbm>>
      %dma_wait3A_95 = arith.constant 0 : i32
      %dma_wait3A_96 = tpu.memref_slice %arg9[%mul3A_2, %dma_wait3A_95] : memref<4096x128xf32, #tpu.memory_space<hbm>> -> memref<128x128xf32, #tpu.memory_space<hbm>>
      tpu.wait_dma2 semaphore(%run_scoped3A : memref<!tpu.dma_semaphore, #tpu.memory_space<semaphore_mem>>) src(%arg17 : memref<128x128xf32, #tpu.memory_space<vmem>>) dst(%dma_wait3A_96 : memref<128x128xf32, #tpu.memory_space<hbm>>)
      tpu.yield
    }) : () -> ()
    return
  }
}

module attributes {stable_mosaic.version = 14 : i64} {
  func.func @_knn_body(%arg0: i32, %arg1: memref<1x256x3xf32, #tpu.memory_space<vmem>>, %arg2: memref<1x3x8192xf32, #tpu.memory_space<vmem>>, %arg3: memref<1x256x3xi32, #tpu.memory_space<vmem>>, %arg4: memref<1x256x3xf32, #tpu.memory_space<vmem>>) attributes {dimension_semantics = [#tpu.dimension_semantics<arbitrary>], iteration_bounds = array<i64: 16>, scalar_prefetch = 0 : i64, scratch_operands = 0 : i64, tpu.core_type = #tpu.core_type<tc>, window_params = [{transform_indices = @transform_0, window_bounds = array<i64: 1, 256, 3>}, {transform_indices = @transform_1, window_bounds = array<i64: 1, 3, 8192>}, {transform_indices = @transform_2, window_bounds = array<i64: 1, 256, 3>}, {transform_indices = @transform_3, window_bounds = array<i64: 1, 256, 3>}]} {
    %get3A = arith.constant 0 : index
    %get3A_0 = arith.constant 0 : index
    %get3A_1 = arith.constant 0 : index
    %get3A_2 = vector.load %arg1[%get3A, %get3A_0, %get3A_1] : memref<1x256x3xf32, #tpu.memory_space<vmem>>, vector<1x256x3xf32>
    %get3A_3 = vector.shape_cast %get3A_2 : vector<1x256x3xf32> to vector<256x3xf32>
    %get3A_4 = arith.constant 0 : index
    %get3A_5 = arith.constant 0 : index
    %get3A_6 = arith.constant 0 : index
    %get3A_7 = vector.load %arg2[%get3A_4, %get3A_5, %get3A_6] : memref<1x3x8192xf32, #tpu.memory_space<vmem>>, vector<1x3x8192xf32>
    %get3A_8 = vector.shape_cast %get3A_7 : vector<1x3x8192xf32> to vector<3x8192xf32>
    %slice3A = vector.extract_strided_slice %get3A_3 {offsets = [0, 0], sizes = [256, 1], strides = [1, 1]} : vector<256x3xf32> to vector<256x1xf32>
    %slice3A_9 = vector.extract_strided_slice %get3A_8 {offsets = [0, 0], sizes = [1, 8192], strides = [1, 1]} : vector<3x8192xf32> to vector<1x8192xf32>
    %sub3A = vector.broadcast %slice3A : vector<256x1xf32> to vector<256x8192xf32>
    %sub3A_10 = vector.broadcast %slice3A_9 : vector<1x8192xf32> to vector<256x8192xf32>
    %sub3A_11 = arith.subf %sub3A, %sub3A_10 : vector<256x8192xf32>
    %slice3A_12 = vector.extract_strided_slice %get3A_3 {offsets = [0, 1], sizes = [256, 1], strides = [1, 1]} : vector<256x3xf32> to vector<256x1xf32>
    %slice3A_13 = vector.extract_strided_slice %get3A_8 {offsets = [1, 0], sizes = [1, 8192], strides = [1, 1]} : vector<3x8192xf32> to vector<1x8192xf32>
    %sub3A_14 = vector.broadcast %slice3A_12 : vector<256x1xf32> to vector<256x8192xf32>
    %sub3A_15 = vector.broadcast %slice3A_13 : vector<1x8192xf32> to vector<256x8192xf32>
    %sub3A_16 = arith.subf %sub3A_14, %sub3A_15 : vector<256x8192xf32>
    %slice3A_17 = vector.extract_strided_slice %get3A_3 {offsets = [0, 2], sizes = [256, 1], strides = [1, 1]} : vector<256x3xf32> to vector<256x1xf32>
    %slice3A_18 = vector.extract_strided_slice %get3A_8 {offsets = [2, 0], sizes = [1, 8192], strides = [1, 1]} : vector<3x8192xf32> to vector<1x8192xf32>
    %sub3A_19 = vector.broadcast %slice3A_17 : vector<256x1xf32> to vector<256x8192xf32>
    %sub3A_20 = vector.broadcast %slice3A_18 : vector<1x8192xf32> to vector<256x8192xf32>
    %sub3A_21 = arith.subf %sub3A_19, %sub3A_20 : vector<256x8192xf32>
    %mul3A = arith.mulf %sub3A_11, %sub3A_11 : vector<256x8192xf32>
    %mul3A_22 = arith.mulf %sub3A_16, %sub3A_16 : vector<256x8192xf32>
    %add3A = arith.addf %mul3A, %mul3A_22 : vector<256x8192xf32>
    %mul3A_23 = arith.mulf %sub3A_21, %sub3A_21 : vector<256x8192xf32>
    %add3A_24 = arith.addf %add3A, %mul3A_23 : vector<256x8192xf32>
    %iota3A = tpu.iota {dimensions = array<i32: 1>} : vector<256x8192xi32>
    %convert_element_type3A = arith.sitofp %iota3A : vector<256x8192xi32> to vector<256x8192xf32>
    %reduce_min3A = arith.constant dense<0x7F800000> : vector<256xf32>
    %reduce_min3A_25 = vector.multi_reduction <minimumf>, %add3A_24, %reduce_min3A [1] : vector<256x8192xf32> to vector<256xf32>
    %broadcast_in_dim3A = vector.shape_cast %reduce_min3A_25 : vector<256xf32> to vector<256x1xf32>
    %eq3A = vector.broadcast %broadcast_in_dim3A : vector<256x1xf32> to vector<256x8192xf32>
    %eq3A_26 = arith.cmpf oeq, %add3A_24, %eq3A : vector<256x8192xf32>
    %jit3A = arith.constant 8.192000e+03 : f32
    %broadcast_in_dim3A_27 = vector.broadcast %jit3A : f32 to vector<256x8192xf32>
    %select_n3A = arith.select %eq3A_26, %convert_element_type3A, %broadcast_in_dim3A_27 : vector<256x8192xi1>, vector<256x8192xf32>
    %reduce_min3A_28 = arith.constant dense<0x7F800000> : vector<256xf32>
    %reduce_min3A_29 = vector.multi_reduction <minimumf>, %select_n3A, %reduce_min3A_28 [1] : vector<256x8192xf32> to vector<256xf32>
    %broadcast_in_dim3A_30 = vector.shape_cast %reduce_min3A_29 : vector<256xf32> to vector<256x1xf32>
    %eq3A_31 = vector.broadcast %broadcast_in_dim3A_30 : vector<256x1xf32> to vector<256x8192xf32>
    %eq3A_32 = arith.cmpf oeq, %convert_element_type3A, %eq3A_31 : vector<256x8192xf32>
    %jit3A_33 = arith.constant 1.000000e+30 : f32
    %broadcast_in_dim3A_34 = vector.broadcast %jit3A_33 : f32 to vector<256x8192xf32>
    %select_n3A_35 = arith.select %eq3A_32, %broadcast_in_dim3A_34, %add3A_24 : vector<256x8192xi1>, vector<256x8192xf32>
    %reduce_min3A_36 = arith.constant dense<0x7F800000> : vector<256xf32>
    %reduce_min3A_37 = vector.multi_reduction <minimumf>, %select_n3A_35, %reduce_min3A_36 [1] : vector<256x8192xf32> to vector<256xf32>
    %broadcast_in_dim3A_38 = vector.shape_cast %reduce_min3A_37 : vector<256xf32> to vector<256x1xf32>
    %eq3A_39 = vector.broadcast %broadcast_in_dim3A_38 : vector<256x1xf32> to vector<256x8192xf32>
    %eq3A_40 = arith.cmpf oeq, %select_n3A_35, %eq3A_39 : vector<256x8192xf32>
    %jit3A_41 = arith.constant 8.192000e+03 : f32
    %broadcast_in_dim3A_42 = vector.broadcast %jit3A_41 : f32 to vector<256x8192xf32>
    %select_n3A_43 = arith.select %eq3A_40, %convert_element_type3A, %broadcast_in_dim3A_42 : vector<256x8192xi1>, vector<256x8192xf32>
    %reduce_min3A_44 = arith.constant dense<0x7F800000> : vector<256xf32>
    %reduce_min3A_45 = vector.multi_reduction <minimumf>, %select_n3A_43, %reduce_min3A_44 [1] : vector<256x8192xf32> to vector<256xf32>
    %broadcast_in_dim3A_46 = vector.shape_cast %reduce_min3A_45 : vector<256xf32> to vector<256x1xf32>
    %eq3A_47 = vector.broadcast %broadcast_in_dim3A_46 : vector<256x1xf32> to vector<256x8192xf32>
    %eq3A_48 = arith.cmpf oeq, %convert_element_type3A, %eq3A_47 : vector<256x8192xf32>
    %jit3A_49 = arith.constant 1.000000e+30 : f32
    %broadcast_in_dim3A_50 = vector.broadcast %jit3A_49 : f32 to vector<256x8192xf32>
    %select_n3A_51 = arith.select %eq3A_48, %broadcast_in_dim3A_50, %select_n3A_35 : vector<256x8192xi1>, vector<256x8192xf32>
    %reduce_min3A_52 = arith.constant dense<0x7F800000> : vector<256xf32>
    %reduce_min3A_53 = vector.multi_reduction <minimumf>, %select_n3A_51, %reduce_min3A_52 [1] : vector<256x8192xf32> to vector<256xf32>
    %broadcast_in_dim3A_54 = vector.shape_cast %reduce_min3A_53 : vector<256xf32> to vector<256x1xf32>
    %eq3A_55 = vector.broadcast %broadcast_in_dim3A_54 : vector<256x1xf32> to vector<256x8192xf32>
    %eq3A_56 = arith.cmpf oeq, %select_n3A_51, %eq3A_55 : vector<256x8192xf32>
    %jit3A_57 = arith.constant 8.192000e+03 : f32
    %broadcast_in_dim3A_58 = vector.broadcast %jit3A_57 : f32 to vector<256x8192xf32>
    %select_n3A_59 = arith.select %eq3A_56, %convert_element_type3A, %broadcast_in_dim3A_58 : vector<256x8192xi1>, vector<256x8192xf32>
    %reduce_min3A_60 = arith.constant dense<0x7F800000> : vector<256xf32>
    %reduce_min3A_61 = vector.multi_reduction <minimumf>, %select_n3A_59, %reduce_min3A_60 [1] : vector<256x8192xf32> to vector<256xf32>
    %broadcast_in_dim3A_62 = vector.shape_cast %reduce_min3A_61 : vector<256xf32> to vector<256x1xf32>
    %concatenate3A = tpu.concatenate %broadcast_in_dim3A, %broadcast_in_dim3A_38, %broadcast_in_dim3A_54 in 1 : vector<256x1xf32>, vector<256x1xf32>, vector<256x1xf32> -> vector<256x3xf32>
    %max3A = arith.constant 9.99999996E-13 : f32
    %max3A_63 = vector.broadcast %max3A : f32 to vector<256x3xf32>
    %max3A_64 = arith.maximumf %concatenate3A, %max3A_63 : vector<256x3xf32>
    %sqrt3A = math.sqrt %max3A_64 : vector<256x3xf32>
    %add3A_65 = arith.constant 9.99999993E-9 : f32
    %add3A_66 = vector.broadcast %add3A_65 : f32 to vector<256x3xf32>
    %add3A_67 = arith.addf %sqrt3A, %add3A_66 : vector<256x3xf32>
    %div3A = arith.constant 1.000000e+00 : f32
    %div3A_68 = vector.broadcast %div3A : f32 to vector<256x3xf32>
    %div3A_69 = arith.divf %div3A_68, %add3A_67 : vector<256x3xf32>
    %reduce_sum3A = arith.constant dense<0.000000e+00> : vector<256xf32>
    %reduce_sum3A_70 = vector.multi_reduction <add>, %div3A_69, %reduce_sum3A [1] : vector<256x3xf32> to vector<256xf32>
    %broadcast_in_dim3A_71 = vector.shape_cast %reduce_sum3A_70 : vector<256xf32> to vector<256x1xf32>
    %div3A_72 = vector.broadcast %broadcast_in_dim3A_71 : vector<256x1xf32> to vector<256x3xf32>
    %div3A_73 = arith.divf %div3A_69, %div3A_72 : vector<256x3xf32>
    %concatenate3A_74 = tpu.concatenate %broadcast_in_dim3A_30, %broadcast_in_dim3A_46, %broadcast_in_dim3A_62 in 1 : vector<256x1xf32>, vector<256x1xf32>, vector<256x1xf32> -> vector<256x3xf32>
    %convert_element_type3A_75 = arith.fptosi %concatenate3A_74 : vector<256x3xf32> to vector<256x3xi32>
    %add3A_76 = arith.constant 8192 : i32
    %add3A_77 = vector.broadcast %add3A_76 : i32 to vector<256x3xi32>
    %add3A_78 = arith.addi %convert_element_type3A_75, %add3A_77 : vector<256x3xi32>
    %swap3A = arith.constant 0 : index
    %swap3A_79 = arith.constant 0 : index
    %swap3A_80 = arith.constant 0 : index
    %swap3A_81 = vector.load %arg3[%swap3A, %swap3A_79, %swap3A_80] : memref<1x256x3xi32, #tpu.memory_space<vmem>>, vector<1x256x3xi32>
    %swap3A_82 = vector.shape_cast %swap3A_81 : vector<1x256x3xi32> to vector<256x3xi32>
    %swap3A_83 = vector.shape_cast %add3A_78 : vector<256x3xi32> to vector<1x256x3xi32>
    tpu.vector_store %arg3[%swap3A, %swap3A_79, %swap3A_80], %swap3A_83 {strides = array<i32>} : memref<1x256x3xi32, #tpu.memory_space<vmem>>, vector<1x256x3xi32>,
    %swap3A_84 = arith.constant 0 : index
    %swap3A_85 = arith.constant 0 : index
    %swap3A_86 = arith.constant 0 : index
    %swap3A_87 = vector.load %arg4[%swap3A_84, %swap3A_85, %swap3A_86] : memref<1x256x3xf32, #tpu.memory_space<vmem>>, vector<1x256x3xf32>
    %swap3A_88 = vector.shape_cast %swap3A_87 : vector<1x256x3xf32> to vector<256x3xf32>
    %swap3A_89 = vector.shape_cast %div3A_73 : vector<256x3xf32> to vector<1x256x3xf32>
    tpu.vector_store %arg4[%swap3A_84, %swap3A_85, %swap3A_86], %swap3A_89 {strides = array<i32>} : memref<1x256x3xf32, #tpu.memory_space<vmem>>, vector<1x256x3xf32>,
    return
  }
  func.func @transform_0(%arg0: i32) -> (i32, i32, i32) {
    %add3A = arith.constant 0 : i32
    %add3A_0 = arith.addi %add3A, %arg0 : i32
    %c1_i32 = arith.constant 1 : i32
    %c0_i32 = arith.constant 0 : i32
    %c0_i32_1 = arith.constant 0 : i32
    return %c1_i32, %add3A_0, %c0_i32 : i32, i32, i32
  }
  func.func @transform_1(%arg0: i32) -> (i32, i32, i32) {
    %c1_i32 = arith.constant 1 : i32
    %c0_i32 = arith.constant 0 : i32
    %c0_i32_0 = arith.constant 0 : i32
    %c0_i32_1 = arith.constant 0 : i32
    return %c1_i32, %c0_i32, %c0_i32_0 : i32, i32, i32
  }
  func.func @transform_2(%arg0: i32) -> (i32, i32, i32) {
    %c0_i32 = arith.constant 0 : i32
    %c0_i32_0 = arith.constant 0 : i32
    %c0_i32_1 = arith.constant 0 : i32
    return %c0_i32, %arg0, %c0_i32_0 : i32, i32, i32
  }
  func.func @transform_3(%arg0: i32) -> (i32, i32, i32) {
    %c0_i32 = arith.constant 0 : i32
    %c0_i32_0 = arith.constant 0 : i32
    %c0_i32_1 = arith.constant 0 : i32
    return %c0_i32, %arg0, %c0_i32_0 : i32, i32, i32
  }
}

module attributes {stable_mosaic.version = 14 : i64} {
  func.func @_knn_body(%arg0: i32, %arg1: memref<1x256x3xf32, #tpu.memory_space<vmem>>, %arg2: memref<1x3x8192xf32, #tpu.memory_space<vmem>>, %arg3: memref<1x256x3xi32, #tpu.memory_space<vmem>>, %arg4: memref<1x256x3xf32, #tpu.memory_space<vmem>>) attributes {dimension_semantics = [#tpu.dimension_semantics<arbitrary>], iteration_bounds = array<i64: 16>, scalar_prefetch = 0 : i64, scratch_operands = 0 : i64, tpu.core_type = #tpu.core_type<tc>, window_params = [{transform_indices = @transform_0, window_bounds = array<i64: 1, 256, 3>}, {transform_indices = @transform_1, window_bounds = array<i64: 1, 3, 8192>}, {transform_indices = @transform_2, window_bounds = array<i64: 1, 256, 3>}, {transform_indices = @transform_3, window_bounds = array<i64: 1, 256, 3>}]} {
    %get3A = arith.constant 0 : index
    %get3A_0 = arith.constant 0 : index
    %get3A_1 = arith.constant 0 : index
    %get3A_2 = vector.load %arg1[%get3A, %get3A_0, %get3A_1] : memref<1x256x3xf32, #tpu.memory_space<vmem>>, vector<1x256x3xf32>
    %get3A_3 = vector.shape_cast %get3A_2 : vector<1x256x3xf32> to vector<256x3xf32>
    %get3A_4 = arith.constant 0 : index
    %get3A_5 = arith.constant 0 : index
    %get3A_6 = arith.constant 0 : index
    %get3A_7 = vector.load %arg2[%get3A_4, %get3A_5, %get3A_6] : memref<1x3x8192xf32, #tpu.memory_space<vmem>>, vector<1x3x8192xf32>
    %get3A_8 = vector.shape_cast %get3A_7 : vector<1x3x8192xf32> to vector<3x8192xf32>
    %slice3A = vector.extract_strided_slice %get3A_3 {offsets = [0, 0], sizes = [256, 1], strides = [1, 1]} : vector<256x3xf32> to vector<256x1xf32>
    %slice3A_9 = vector.extract_strided_slice %get3A_8 {offsets = [0, 0], sizes = [1, 8192], strides = [1, 1]} : vector<3x8192xf32> to vector<1x8192xf32>
    %sub3A = vector.broadcast %slice3A : vector<256x1xf32> to vector<256x8192xf32>
    %sub3A_10 = vector.broadcast %slice3A_9 : vector<1x8192xf32> to vector<256x8192xf32>
    %sub3A_11 = arith.subf %sub3A, %sub3A_10 : vector<256x8192xf32>
    %slice3A_12 = vector.extract_strided_slice %get3A_3 {offsets = [0, 1], sizes = [256, 1], strides = [1, 1]} : vector<256x3xf32> to vector<256x1xf32>
    %slice3A_13 = vector.extract_strided_slice %get3A_8 {offsets = [1, 0], sizes = [1, 8192], strides = [1, 1]} : vector<3x8192xf32> to vector<1x8192xf32>
    %sub3A_14 = vector.broadcast %slice3A_12 : vector<256x1xf32> to vector<256x8192xf32>
    %sub3A_15 = vector.broadcast %slice3A_13 : vector<1x8192xf32> to vector<256x8192xf32>
    %sub3A_16 = arith.subf %sub3A_14, %sub3A_15 : vector<256x8192xf32>
    %slice3A_17 = vector.extract_strided_slice %get3A_3 {offsets = [0, 2], sizes = [256, 1], strides = [1, 1]} : vector<256x3xf32> to vector<256x1xf32>
    %slice3A_18 = vector.extract_strided_slice %get3A_8 {offsets = [2, 0], sizes = [1, 8192], strides = [1, 1]} : vector<3x8192xf32> to vector<1x8192xf32>
    %sub3A_19 = vector.broadcast %slice3A_17 : vector<256x1xf32> to vector<256x8192xf32>
    %sub3A_20 = vector.broadcast %slice3A_18 : vector<1x8192xf32> to vector<256x8192xf32>
    %sub3A_21 = arith.subf %sub3A_19, %sub3A_20 : vector<256x8192xf32>
    %mul3A = arith.mulf %sub3A_11, %sub3A_11 : vector<256x8192xf32>
    %mul3A_22 = arith.mulf %sub3A_16, %sub3A_16 : vector<256x8192xf32>
    %add3A = arith.addf %mul3A, %mul3A_22 : vector<256x8192xf32>
    %mul3A_23 = arith.mulf %sub3A_21, %sub3A_21 : vector<256x8192xf32>
    %add3A_24 = arith.addf %add3A, %mul3A_23 : vector<256x8192xf32>
    %iota3A = tpu.iota {dimensions = array<i32: 1>} : vector<256x8192xi32>
    %convert_element_type3A = arith.sitofp %iota3A : vector<256x8192xi32> to vector<256x8192xf32>
    %reduce_min3A = arith.constant dense<0x7F800000> : vector<256xf32>
    %reduce_min3A_25 = vector.multi_reduction <minimumf>, %add3A_24, %reduce_min3A [1] : vector<256x8192xf32> to vector<256xf32>
    %broadcast_in_dim3A = vector.shape_cast %reduce_min3A_25 : vector<256xf32> to vector<256x1xf32>
    %eq3A = vector.broadcast %broadcast_in_dim3A : vector<256x1xf32> to vector<256x8192xf32>
    %eq3A_26 = arith.cmpf oeq, %add3A_24, %eq3A : vector<256x8192xf32>
    %jit3A = arith.constant 8.192000e+03 : f32
    %broadcast_in_dim3A_27 = vector.broadcast %jit3A : f32 to vector<256x8192xf32>
    %select_n3A = arith.select %eq3A_26, %convert_element_type3A, %broadcast_in_dim3A_27 : vector<256x8192xi1>, vector<256x8192xf32>
    %reduce_min3A_28 = arith.constant dense<0x7F800000> : vector<256xf32>
    %reduce_min3A_29 = vector.multi_reduction <minimumf>, %select_n3A, %reduce_min3A_28 [1] : vector<256x8192xf32> to vector<256xf32>
    %broadcast_in_dim3A_30 = vector.shape_cast %reduce_min3A_29 : vector<256xf32> to vector<256x1xf32>
    %eq3A_31 = vector.broadcast %broadcast_in_dim3A_30 : vector<256x1xf32> to vector<256x8192xf32>
    %eq3A_32 = arith.cmpf oeq, %convert_element_type3A, %eq3A_31 : vector<256x8192xf32>
    %jit3A_33 = arith.constant 1.000000e+30 : f32
    %broadcast_in_dim3A_34 = vector.broadcast %jit3A_33 : f32 to vector<256x8192xf32>
    %select_n3A_35 = arith.select %eq3A_32, %broadcast_in_dim3A_34, %add3A_24 : vector<256x8192xi1>, vector<256x8192xf32>
    %reduce_min3A_36 = arith.constant dense<0x7F800000> : vector<256xf32>
    %reduce_min3A_37 = vector.multi_reduction <minimumf>, %select_n3A_35, %reduce_min3A_36 [1] : vector<256x8192xf32> to vector<256xf32>
    %broadcast_in_dim3A_38 = vector.shape_cast %reduce_min3A_37 : vector<256xf32> to vector<256x1xf32>
    %eq3A_39 = vector.broadcast %broadcast_in_dim3A_38 : vector<256x1xf32> to vector<256x8192xf32>
    %eq3A_40 = arith.cmpf oeq, %select_n3A_35, %eq3A_39 : vector<256x8192xf32>
    %jit3A_41 = arith.constant 8.192000e+03 : f32
    %broadcast_in_dim3A_42 = vector.broadcast %jit3A_41 : f32 to vector<256x8192xf32>
    %select_n3A_43 = arith.select %eq3A_40, %convert_element_type3A, %broadcast_in_dim3A_42 : vector<256x8192xi1>, vector<256x8192xf32>
    %reduce_min3A_44 = arith.constant dense<0x7F800000> : vector<256xf32>
    %reduce_min3A_45 = vector.multi_reduction <minimumf>, %select_n3A_43, %reduce_min3A_44 [1] : vector<256x8192xf32> to vector<256xf32>
    %broadcast_in_dim3A_46 = vector.shape_cast %reduce_min3A_45 : vector<256xf32> to vector<256x1xf32>
    %eq3A_47 = vector.broadcast %broadcast_in_dim3A_46 : vector<256x1xf32> to vector<256x8192xf32>
    %eq3A_48 = arith.cmpf oeq, %convert_element_type3A, %eq3A_47 : vector<256x8192xf32>
    %jit3A_49 = arith.constant 1.000000e+30 : f32
    %broadcast_in_dim3A_50 = vector.broadcast %jit3A_49 : f32 to vector<256x8192xf32>
    %select_n3A_51 = arith.select %eq3A_48, %broadcast_in_dim3A_50, %select_n3A_35 : vector<256x8192xi1>, vector<256x8192xf32>
    %reduce_min3A_52 = arith.constant dense<0x7F800000> : vector<256xf32>
    %reduce_min3A_53 = vector.multi_reduction <minimumf>, %select_n3A_51, %reduce_min3A_52 [1] : vector<256x8192xf32> to vector<256xf32>
    %broadcast_in_dim3A_54 = vector.shape_cast %reduce_min3A_53 : vector<256xf32> to vector<256x1xf32>
    %eq3A_55 = vector.broadcast %broadcast_in_dim3A_54 : vector<256x1xf32> to vector<256x8192xf32>
    %eq3A_56 = arith.cmpf oeq, %select_n3A_51, %eq3A_55 : vector<256x8192xf32>
    %jit3A_57 = arith.constant 8.192000e+03 : f32
    %broadcast_in_dim3A_58 = vector.broadcast %jit3A_57 : f32 to vector<256x8192xf32>
    %select_n3A_59 = arith.select %eq3A_56, %convert_element_type3A, %broadcast_in_dim3A_58 : vector<256x8192xi1>, vector<256x8192xf32>
    %reduce_min3A_60 = arith.constant dense<0x7F800000> : vector<256xf32>
    %reduce_min3A_61 = vector.multi_reduction <minimumf>, %select_n3A_59, %reduce_min3A_60 [1] : vector<256x8192xf32> to vector<256xf32>
    %broadcast_in_dim3A_62 = vector.shape_cast %reduce_min3A_61 : vector<256xf32> to vector<256x1xf32>
    %concatenate3A = tpu.concatenate %broadcast_in_dim3A, %broadcast_in_dim3A_38, %broadcast_in_dim3A_54 in 1 : vector<256x1xf32>, vector<256x1xf32>, vector<256x1xf32> -> vector<256x3xf32>
    %max3A = arith.constant 9.99999996E-13 : f32
    %max3A_63 = vector.broadcast %max3A : f32 to vector<256x3xf32>
    %max3A_64 = arith.maximumf %concatenate3A, %max3A_63 : vector<256x3xf32>
    %sqrt3A = math.sqrt %max3A_64 : vector<256x3xf32>
    %add3A_65 = arith.constant 9.99999993E-9 : f32
    %add3A_66 = vector.broadcast %add3A_65 : f32 to vector<256x3xf32>
    %add3A_67 = arith.addf %sqrt3A, %add3A_66 : vector<256x3xf32>
    %div3A = arith.constant 1.000000e+00 : f32
    %div3A_68 = vector.broadcast %div3A : f32 to vector<256x3xf32>
    %div3A_69 = arith.divf %div3A_68, %add3A_67 : vector<256x3xf32>
    %reduce_sum3A = arith.constant dense<0.000000e+00> : vector<256xf32>
    %reduce_sum3A_70 = vector.multi_reduction <add>, %div3A_69, %reduce_sum3A [1] : vector<256x3xf32> to vector<256xf32>
    %broadcast_in_dim3A_71 = vector.shape_cast %reduce_sum3A_70 : vector<256xf32> to vector<256x1xf32>
    %div3A_72 = vector.broadcast %broadcast_in_dim3A_71 : vector<256x1xf32> to vector<256x3xf32>
    %div3A_73 = arith.divf %div3A_69, %div3A_72 : vector<256x3xf32>
    %concatenate3A_74 = tpu.concatenate %broadcast_in_dim3A_30, %broadcast_in_dim3A_46, %broadcast_in_dim3A_62 in 1 : vector<256x1xf32>, vector<256x1xf32>, vector<256x1xf32> -> vector<256x3xf32>
    %convert_element_type3A_75 = arith.fptosi %concatenate3A_74 : vector<256x3xf32> to vector<256x3xi32>
    %add3A_76 = arith.constant 0 : i32
    %add3A_77 = vector.broadcast %add3A_76 : i32 to vector<256x3xi32>
    %add3A_78 = arith.addi %convert_element_type3A_75, %add3A_77 : vector<256x3xi32>
    %swap3A = arith.constant 0 : index
    %swap3A_79 = arith.constant 0 : index
    %swap3A_80 = arith.constant 0 : index
    %swap3A_81 = vector.load %arg3[%swap3A, %swap3A_79, %swap3A_80] : memref<1x256x3xi32, #tpu.memory_space<vmem>>, vector<1x256x3xi32>
    %swap3A_82 = vector.shape_cast %swap3A_81 : vector<1x256x3xi32> to vector<256x3xi32>
    %swap3A_83 = vector.shape_cast %add3A_78 : vector<256x3xi32> to vector<1x256x3xi32>
    tpu.vector_store %arg3[%swap3A, %swap3A_79, %swap3A_80], %swap3A_83 {strides = array<i32>} : memref<1x256x3xi32, #tpu.memory_space<vmem>>, vector<1x256x3xi32>,
    %swap3A_84 = arith.constant 0 : index
    %swap3A_85 = arith.constant 0 : index
    %swap3A_86 = arith.constant 0 : index
    %swap3A_87 = vector.load %arg4[%swap3A_84, %swap3A_85, %swap3A_86] : memref<1x256x3xf32, #tpu.memory_space<vmem>>, vector<1x256x3xf32>
    %swap3A_88 = vector.shape_cast %swap3A_87 : vector<1x256x3xf32> to vector<256x3xf32>
    %swap3A_89 = vector.shape_cast %div3A_73 : vector<256x3xf32> to vector<1x256x3xf32>
    tpu.vector_store %arg4[%swap3A_84, %swap3A_85, %swap3A_86], %swap3A_89 {strides = array<i32>} : memref<1x256x3xf32, #tpu.memory_space<vmem>>, vector<1x256x3xf32>,
    return
  }
  func.func @transform_0(%arg0: i32) -> (i32, i32, i32) {
    %add3A = arith.constant 0 : i32
    %add3A_0 = arith.addi %add3A, %arg0 : i32
    %c0_i32 = arith.constant 0 : i32
    %c0_i32_1 = arith.constant 0 : i32
    %c0_i32_2 = arith.constant 0 : i32
    return %c0_i32, %add3A_0, %c0_i32_1 : i32, i32, i32
  }
  func.func @transform_1(%arg0: i32) -> (i32, i32, i32) {
    %c0_i32 = arith.constant 0 : i32
    %c0_i32_0 = arith.constant 0 : i32
    %c0_i32_1 = arith.constant 0 : i32
    %c0_i32_2 = arith.constant 0 : i32
    return %c0_i32, %c0_i32_0, %c0_i32_1 : i32, i32, i32
  }
  func.func @transform_2(%arg0: i32) -> (i32, i32, i32) {
    %c0_i32 = arith.constant 0 : i32
    %c0_i32_0 = arith.constant 0 : i32
    %c0_i32_1 = arith.constant 0 : i32
    return %c0_i32, %arg0, %c0_i32_0 : i32, i32, i32
  }
  func.func @transform_3(%arg0: i32) -> (i32, i32, i32) {
    %c0_i32 = arith.constant 0 : i32
    %c0_i32_0 = arith.constant 0 : i32
    %c0_i32_1 = arith.constant 0 : i32
    return %c0_i32, %arg0, %c0_i32_0 : i32, i32, i32
  }
}

</mosaic_0001>

<sc_bundles>
// kernel: kernel.6.cloned.1.call-start
scs
__scs_entry_jumppad:
0x0: {  	(pc) =	sbr.rel $0x88, $3  }
0x1: {  	(tag) =	ssettag $0x0;
	lr =	simm.s32 $0x1  }
0x2: {  	[smem:$0x3F9E] =	sst lr;
	_ =	strace $0xD0000000  }
0x3: {  	_ = 	snop  }
0x4: {  	_ = 	snop  }
0x5: {  	_ = 	snop  }
0x6: {  	_ = 	snop  }
0x7: {  	_ = 	snop  }
__scs_overlays_trampoline_lowered:
0x8: {  	[smem:$0x3FAD] =	sst s0  }
0x9: {  	[smem:$0x3FAE] =	sst s1  }
0xa: {  	[smem:$0x3FAF] =	sst s2  }
0xb: {  	[smem:$0x3FB0] =	sst s3  }
0xc: {  	[smem:$0x3FB1] =	sst s4  }
0xd: {  	[smem:$0x3FB2] =	sst s5  }
0xe: {  	[smem:$0x3FB3] =	sst s6  }
0xf: {  	[smem:$0x3FB4] =	sst s7  }
0x10: {  	[smem:$0x3FB5] =	sst s8  }
0x11: {  	[smem:$0x3FB6] =	sst s9;
	s0 =	simm.s32 @!p0 $0x0  }
0x12: {  	s1 =	sld [smem:$0x3F9C];
	s0 =	simm.s32 @p0 $0x1  }
0x13: {  	[smem:$0x3FB7] =	sst s0;
	s0 =	simm.s32 @!p1 $0x0  }
0x14: {  	s2 =	sld [smem:$0x3F9B];
	s0 =	simm.s32 @p1 $0x1  }
0x15: {  	[smem:$0x3FB8] =	sst s0;
	s0 =	simm.s32 @!p2 $0x0  }
0x16: {  	s3 =	sld [smem:$0x3FDB];
	s0 =	simm.s32 @p2 $0x1  }
0x17: {  	s4 =	simm.s32 $0x1BF5;
	[smem:$0x3FBA] =	sst s0  }
0x18: {  	s0 =	sld [smem:$0x3F9D];
	_ =	swait.ge [sflag:s4], $0x0  }
0x19: {  	s7 =	sld [smem:$0x3F9E]  }
0x1a: {  	s8 =	sadd.s32 $0xFFFFE003, lr  }
0x1b: {  	s9 =	sadd.s32 $0xFFFFFEF7, lr;
	s5 =	simm.s32 $0xFFFFFFFF;
	p2 =	slt.u32 s8, $0xFFFFF086  }
0x1c: {  	p1 =	slt.u32 s9, $0xF7A;
	s5 =	simm.s32 @!p2 $0x0  }
0x1d: {  	s5 =	simm.s32 @p1 $0x1;
	p0 =	seq.s32 s7, s2  }
0x1e: {  	s7 =	smul.u32 @!p0 $0xF7A, s2;
	p2 =	seq.s32 @!p0 s5, $0x0  }
0x1f: {  	s9 =	smul.u32 $0xF7A, s1;
	s8 =	simm.s32 @!p0 $0x1BF5;
	p2 =	por !p2, p0  }
0x20: {  	[sflag:s8] =	ssyncset.s32 @!p0 $0xFFFFF086;
	s6 =	sadd.s32 @!p0 s3, s7;
	s7 =	simm.s32 @!p0 $0x108  }
0x21: {  	s3 =	sadd.s32 s3, s9;
	s6 =	sadd.s32 @!p0 $0x88, s6;
	s7 =	simm.s32 @p2 $0x1082  }
0x22: {  	[simem:s7], [sflag:s8] =	dma.local @!p0 [hbm:s6], $0xF7A  }
0x23: {  	s9 =	sor.u32 $0xD0000000, s2;
	s6 =	simm.s32 $0x108;
	_ =	swait.ge @!p0 [sflag:s8], $0x0  }
0x24: {  	s3 =	sadd.s32 $0x88, s3;
	s6 =	simm.s32 @!p1 $0x1082;
	[sflag:s4] =	ssyncset.s32 $0xFFFFF086  }
0x25: {  	[simem:s6], [sflag:s4] =	dma.local [hbm:s3], $0xF7A  }
0x26: {  	[smem:$0x3F9E] =	sst s1;
	(tag) =	ssettag s2;
	_ =	strace s9  }
0x27: {  	s1 =	sld [smem:$0x3FAE]  }
0x28: {  	s2 =	sld [smem:$0x3FAF]  }
0x29: {  	s4 =	sld [smem:$0x3FB1]  }
0x2a: {  	p0 =	seq.s32 s5, $0x0;
	s5 =	sld [smem:$0x3FB2]  }
0x2b: {  	s6 =	sld [smem:$0x3FB3]  }
0x2c: {  	s7 =	sld [smem:$0x3FB4]  }
0x2d: {  	s3 =	simm.s32 $0x108;
	s8 =	sld [smem:$0x3FB5]  }
0x2e: {  	s3 =	simm.s32 @!p0 $0x1082;
	s9 =	sld [smem:$0x3FB6]  }
0x2f: {  	lr =	sadd.s32 s0, s3;
	s0 =	sld [smem:$0x3FAD]  }
0x30: {  	s3 =	sld [smem:$0x3FB0]  }
0x31: {  	[smem:$0x3FB9] =	sst s10  }
0x32: {  	s10 =	sld [smem:$0x3FB7];
	_ =	sdelay $0x3  }
0x33: {  	p0 =	seq.s32 s10, $0x1;
	s10 =	sld [smem:$0x3FB9];
	_ =	sdelay $0x3  }
0x34: {  	[smem:$0x3FB9] =	sst s10  }
0x35: {  	s10 =	sld [smem:$0x3FB8];
	_ =	sdelay $0x3  }
0x36: {  	p1 =	seq.s32 s10, $0x1;
	s10 =	sld [smem:$0x3FB9];
	_ =	sdelay $0x3  }
0x37: {  	[smem:$0x3FB9] =	sst s10  }
0x38: {  	s10 =	sld [smem:$0x3FBA]  }
0x39: {  	_ = 	snop;
	(pc) =	sbr.ind lr, $3  }
0x3a: {  	_ = 	snop  }
0x3b: {  	_ = 	snop  }
0x3c: {  	p2 =	seq.s32 s10, $0x1;
	s10 =	sld [smem:$0x3FB9]  }
0x3d: {  	_ =	shalt  }
0x3e: {  	_ =	shalt  }
0x3f: {  	_ =	shalt  }
0x40: {  	_ =	shalt  }
0x41: {  	_ =	shalt  }
0x42: {  	_ =	shalt  }
0x43: {  	_ =	shalt  }
0x44: {  	_ =	shalt  }
0x45: {  	_ =	shalt  }
0x46: {  	_ =	shalt  }
0x47: {  	_ =	shalt  }
0x48: {  	_ =	shalt  }
0x49: {  	_ =	shalt  }
0x4a: {  	_ =	shalt  }
0x4b: {  	_ =	shalt  }
0x4c: {  	_ =	shalt  }
0x4d: {  	_ =	shalt  }
0x4e: {  	_ =	shalt  }
0x4f: {  	_ =	shalt  }
0x50: {  	_ =	shalt  }
0x51: {  	_ =	shalt  }
0x52: {  	_ =	shalt  }
0x53: {  	_ =	shalt  }
0x54: {  	_ =	shalt  }
0x55: {  	_ =	shalt  }
0x56: {  	_ =	shalt  }
0x57: {  	_ =	shalt  }
0x58: {  	_ =	shalt  }
0x59: {  	_ =	shalt  }
0x5a: {  	_ =	shalt  }
0x5b: {  	_ =	shalt  }
0x5c: {  	_ =	shalt  }
0x5d: {  	_ =	shalt  }
0x5e: {  	_ =	shalt  }
0x5f: {  	_ =	shalt  }
0x60: {  	_ =	shalt  }
0x61: {  	_ =	shalt  }
0x62: {  	_ =	shalt  }
0x63: {  	_ =	shalt  }
0x64: {  	_ =	shalt  }
0x65: {  	_ =	shalt  }
0x66: {  	_ =	shalt  }
0x67: {  	_ =	shalt  }
0x68: {  	_ =	shalt  }
0x69: {  	_ =	shalt  }
0x6a: {  	_ =	shalt  }
0x6b: {  	_ =	shalt  }
0x6c: {  	_ =	shalt  }
0x6d: {  	_ =	shalt  }
0x6e: {  	_ =	shalt  }
0x6f: {  	_ =	shalt  }
0x70: {  	_ =	shalt  }
0x71: {  	_ =	shalt  }
0x72: {  	_ =	shalt  }
0x73: {  	_ =	shalt  }
0x74: {  	_ =	shalt  }
0x75: {  	_ =	shalt  }
0x76: {  	_ =	shalt  }
0x77: {  	_ =	shalt  }
0x78: {  	_ =	shalt  }
0x79: {  	_ =	shalt  }
0x7a: {  	_ =	shalt  }
0x7b: {  	_ =	shalt  }
0x7c: {  	_ =	shalt  }
0x7d: {  	_ =	shalt  }
0x7e: {  	_ =	shalt  }
0x7f: {  	_ =	shalt  }
0x80: {  	_ =	shalt  }
0x81: {  	_ =	shalt  }
0x82: {  	_ =	shalt  }
0x83: {  	_ =	shalt  }
0x84: {  	_ =	shalt  }
0x85: {  	_ =	shalt  }
0x86: {  	_ =	shalt  }
0x87: {  	_ =	shalt  }
.Lfunc_end0:
.L_simem_size_0:
called_computation_lowered:
.L_overlay_start_0:
0x88: {  	s2 =	sld [smem:$0x3FD9]  }
0x89: {  	s3 =	sld [smem:$0x3FFE];
	_ =	sdelay $0x1  }
0x8a: {  	s1 =	srdreg.scid  }
0x8b: {  	s0 =	sand.u32 $0x1, s1  }
0x8c: {  	s15 =	sshll.u32 s0, $0xA;
	s2 =	sadd.s32 s3, s2  }
0x8d: {  	s2 =	sadd.s32 s2, s15  }
0x8e: {  	[smem:$0x3FC5] =	sst s2  }
0x8f: {  	_ = 	snop  }
0x90: {  	s2 =	sld [smem:$0x3FD0];
	_ =	sdelay $0x2  }
0x91: {  	s16 =	simm.s32 $0xB;
	s4 =	simm.s32 $0x10  }
0x92: {  	[smem:s4], [sflag:s16] =	dma.local [hbm:s2], $0x1  }
0x93: {  	_ =	swait.eq [sflag:s16], $0x1  }
0x94: {  	[sflag:s16] =	ssyncset.done $0x0  }
0x95: {  	[sflag:s16] =	ssyncadd.s32 $0xFFFFFFFF  }
0x96: {  	s17 =	sld [smem:$0x11];
	(tm) =	ssettm $0x1  }
0x97: {  	s18 =	sld [smem:$0x3FFB];
	_ =	sdelay $0x3  }
0x98: {  	_ =	strace s18  }
0x99: {  	s2 =	sld [smem:$0x3FFC];
	_ =	sdelay $0x3  }
0x9a: {  	_ =	strace s2  }
0x9b: {  	s2 =	sld [smem:$0x3FFD];
	_ =	sdelay $0x3  }
0x9c: {  	_ =	strace s2  }
0x9d: {  	_ =	strace $0x8FFFFFFF  }
0x9e: {  	s19 =	sld [smem:$0x3FDB];
	_ =	sdelay $0x1  }
0x9f: {  	s20 =	simm.s32 $_scs_section_size  }
0xa0: {  	s5 =	simm.s32 $_size__tile_overlayer_lowered;
	s6 =	simm.s32 $_tile_overlayer_lowered  }
0xa1: {  	s7 =	simm.s32 $0x1BFF;
	s21 =	sshll.u32 s6, $0x1;
	s4 =	sadd.s32 s20, s19  }
0xa2: {  	s22 =	simm.s32 $0x0;
	s5 =	sshll.u32 s5, $0x1;
	s6 =	sadd.s32 s21, s4  }
0xa3: {  	[timem:s22], [sflag:s7] =	dma.local [hbm:s6], s5  }
0xa4: {  	_ =	swait.ge [sflag:s7], s5  }
0xa5: {  	s5 =	ssub.s32 $0x0, s5;
	[sflag:s7] =	ssyncset.done $0x0  }
0xa6: {  	[sflag:s7] =	ssyncadd.s32 s5;
	_ =	sdelay $0x1  }
0xa7: {  	s23 =	simm.s32 $0x1B8B  }
0xa8: {  	_ =	swait.ge [sflag:s23], $0x1  }
0xa9: {  	[sflag:s23] =	ssyncset.done $0x0  }
0xaa: {  	[sflag:s23] =	ssyncadd.s32 $0xFFFFFFFF  }
0xab: {  	s5 =	sld [smem:$0x0]  }
0xac: {  	s6 =	sand.u32 $0xFFFFFFFE, s1  }
0xad: {  	p0 =	sne.s32 s1, s6  }
0xae: {  	s6 =	sshll.u32 @p0 s6, $0xE  }
0xaf: {  	s6 =	sadd.s32 @p0 $0x11B8D, s6;
	s7 =	sshll.u32 @p0 s5, $0x11  }
0xb0: {  	s6 =	sor.u32 @p0 s7, s6  }
0xb1: {  	[sflag:s6] =	ssyncadd.remote.s32 @p0 $0x1;
	_ =	sdelay $0x1  }
0xb2: {  	s6 =	simm.s32 @p0 $0x1B8D  }
0xb3: {  	_ =	swait.eq @p0 [sflag:s6], $0x1  }
0xb4: {  	[sflag:s6] =	ssyncadd.s32 @p0 $0xFFFFFFFF  }
0xb5: {  	s7 =	sshll.u32 @!p0 s1, $0xE  }
0xb6: {  	s7 =	sor.u32 @!p0 $0x4000, s7;
	s6 =	simm.s32 @!p0 $0x1B8D  }
0xb7: {  	s5 =	sshll.u32 @!p0 s5, $0x11;
	s7 =	sadd.s32 @!p0 $0x11B8D, s7;
	_ =	swait.eq @!p0 [sflag:s6], $0x1  }
0xb8: {  	s5 =	sor.u32 @!p0 s5, s7;
	[sflag:s6] =	ssyncadd.s32 @!p0 $0xFFFFFFFF  }
0xb9: {  	s25 =	simm.s32 $0x1B8E;
	s24 =	sld [smem:$0x3FFE];
	[sflag:s5] =	ssyncadd.remote.s32 @!p0 $0x1  }
0xba: {  	s26 =	simm.s32 $execute0_lowered;
	[smem:$0x3FD2] =	sst s25  }
0xbb: {  	s6 =	sshll.u32 s26, $0x1;
	_ =	strace $0x80000049;
	[dreg:$0x1] =	wrdreg $0xFFFFFFFF  }
0xbc: {  	s28 =	simm.s32 $_size_execute0_lowered;
	s4 =	sadd.s32 s4, s6;
	[dreg:$0x0] =	wrdreg $0x0  }
0xbd: {  	s6 =	sshll.u32 s28, $0x1;
	[dreg:$0x2] =	wrdreg s4  }
0xbe: {  	[dreg:$0x3] =	wrdreg s6  }
0xbf: {  	[dreg:$0x4] =	wrdreg $0xC0  }
0xc0: {  	_ =	task [dreg:s22], $0x5FFFF  }
0xc1: {  	[dreg:$0x1] =	wrdreg $0xFFFFFFFF  }
0xc2: {  	[dreg:$0x0] =	wrdreg $0x60  }
0xc3: {  	[dreg:$0x2] =	wrdreg s24  }
0xc4: {  	[dreg:$0x3] =	wrdreg s17  }
0xc5: {  	[dreg:$0x4] =	wrdreg $0x9  }
0xc6: {  	_ =	task.clear_ibuf [dreg:s22], $0x5FFFF;
	_ =	strace $0x90000049  }
0xc7: {  	s29 =	simm.s32 $0x9;
	_ =	strace $0x8000004B  }
0xc8: {  	_ =	swait.ge [sflag:s29], $0x1  }
0xc9: {  	[sflag:s29] =	ssyncadd.s32 $0xFFFFFFFF  }
0xca: {  	_ =	strace $0x9000004B  }
0xcb: {  	_ =	sfence  }
0xcc: {  	s30 =	sld [smem:$0x0];
	_ =	sdelay $0x2  }
0xcd: {  	s31 =	sshll.u32 s1, $0xD;
	s1 =	sshrl.u32 s1, $0x2  }
0xce: {  	s4 =	sand.u32 $0x4000, s31;
	s1 =	sadd.s32 s1, s30  }
0xcf: {  	s0 =	sor.u32 s4, s0;
	s1 =	sshll.u32 s1, $0x11  }
0xd0: {  	s0 =	sor.u32 s1, s0  }
0xd1: {  	s0 =	sadd.s32 $0x8F2B, s0  }
0xd2: {  	[sflag:s0] =	ssyncadd.remote.s32 $0x1  }
0xd3: {  	_ =	sfence.sel $0xFFFF  }
0xd4: {  	[dreg:$0x0] =	wrdreg $0xFFFFFFFF;
	(pc) =	sbr.abs _section_cstart, $3  }
0xd5: {  	[dreg:$0x1] =	wrdreg $0xFFFFFFFF  }
0xd6: {  	_ =	task.clear_ibuf [dreg:s22], $0x2FFFF;
	_ =	strace $0x9FFFFFFF  }
0xd7: {  	(tm) =	ssettm $0x7FFFFFFF  }
tec
execute0_lowered:
.L_overlay_start_1:
0x0: {  	(tag) =	ssettag $0x1  }
0x1: {  	s4 =	rddreg [dreg:$0x0]  }
0x2: {  	s10 =	rddreg [dreg:$0x1];
	s2 =	srdreg.scid  }
0x3: {  	s0 =	rddreg [dreg:$0x2];
	s1 =	stileid.u32;
	s14 =	simm.s32 $0x1  }
0x4: {  	s15 =	simm.s32 $0x480;
	s16 =	simm.s32 $0x4480;
	s17 =	simm.s32 $0x8480  }
0x5: {  	s18 =	simm.s32 $0xC480;
	s19 =	simm.s32 $0x2;
	s20 =	simm.s32 $0x0  }
0x6: {  	s3 =	sand.u32 $0x1, s2;
	s2 =	simm.s32 $0x0;
	s5 =	sshll.u32 s1, $0x8  }
0x7: {  	s6 =	sshll.u32 s3, $0x7;
	[smem:$0x7FF] =	sst s2;
	s31 =	ssub.s32 $0x2, s3  }
0x8: {  	s3 =	sadd.s32 $0xA00, s4;
	s9 =	sor.u32 s6, s5;
	_ =	strace $0x8000004A  }
0x9: {  	s7 =	sshrl.u32 s31, $0x1;
	s6 =	sshrl.u32 s9, $0x3;
	s13 =	sshll.u32 s9, $0x4  }
0xa: {  	s12 =	ssub.s32 s31, s7;
	s11 =	sadd.s32 s6, s4;
	s10 =	sadd.s32 s10, s13  }
0xb: {  	s13 =	simm.s32 $0x100;
	s4 =	sadd.s32 $0x50E00, s11;
	s5 =	sadd.s32 $0x50C00, s11  }
0xc: {  	s6 =	sadd.s32 $0x50A00, s11;
	s7 =	sadd.s32 $0x51400, s11;
	s8 =	sadd.s32 $0x51200, s11  }
0xd: {  	s9 =	sadd.s32 $0x51000, s11;
	s11 =	smax.u32 s12, $0x1;
	s12 =	simm.s32 $0x80  }
.LBB2_1:
0xe: {  	[tilespmem:s2], [sflag:$0x1] =	stream.linear.gather [hbm4b:s4+s2], $0x80, $0x38;
	[tilespmem:$0x10480] =	vst v63  }
0xf: {  	_ = 	snop  }
0x10: {  	[tilespmem:s12], [sflag:$0x1] =	stream.linear.gather [hbm4b:s5+s2], $0x80, $0x38;
	[tilespmem:$0x10480] =	vst v63  }
0x11: {  	_ = 	snop  }
0x12: {  	[tilespmem:s13], [sflag:$0x1] =	stream.linear.gather [hbm4b:s6+s2], $0x80, $0x38;
	[tilespmem:$0x10480] =	vst v63  }
0x13: {  	s22 =	simm.s32 $0x180  }
0x14: {  	[tilespmem:s22], [sflag:$0x1] =	stream.linear.gather [hbm4b:s7+s2], $0x80, $0x38;
	[tilespmem:$0x10480] =	vst v63  }
0x15: {  	s24 =	simm.s32 $0x280  }
0x16: {  	[tilespmem:s24], [sflag:$0x1] =	stream.linear.gather [hbm4b:s8+s2], $0x80, $0x38;
	[tilespmem:$0x10480] =	vst v63  }
0x17: {  	s21 =	simm.s32 $0x380  }
0x18: {  	[tilespmem:s21], [sflag:$0x1] =	stream.linear.gather [hbm4b:s9+s2], $0x80, $0x38;
	[tilespmem:$0x10480] =	vst v63  }
0x19: {  	_ =	swait.ge [sflag:s14], $0x80  }
0x1a: {  	[sflag:s14] =	ssyncset.done $0x0  }
0x1b: {  	[sflag:s14] =	ssyncadd.s32 $0xFFFFFF80  }
0x1c: {  	_ =	swait.ge [sflag:s14], $0x80  }
0x1d: {  	[sflag:s14] =	ssyncset.done $0x0  }
0x1e: {  	[sflag:s14] =	ssyncadd.s32 $0xFFFFFF80  }
0x1f: {  	_ =	swait.ge [sflag:s14], $0x80  }
0x20: {  	[sflag:s14] =	ssyncset.done $0x0  }
0x21: {  	[sflag:s14] =	ssyncadd.s32 $0xFFFFFF80  }
0x22: {  	_ =	swait.ge [sflag:s14], $0x80  }
0x23: {  	[sflag:s14] =	ssyncset.done $0x0  }
0x24: {  	[sflag:s14] =	ssyncadd.s32 $0xFFFFFF80  }
0x25: {  	_ =	swait.ge [sflag:s14], $0x80  }
0x26: {  	[sflag:s14] =	ssyncset.done $0x0  }
0x27: {  	[sflag:s14] =	ssyncadd.s32 $0xFFFFFF80  }
0x28: {  	_ =	swait.ge [sflag:s14], $0x80  }
0x29: {  	[sflag:s14] =	ssyncset.done $0x0  }
0x2a: {  	[sflag:s14] =	ssyncadd.s32 $0xFFFFFF80  }
0x2b: {  	[tilespmem:s15], [sflag:$0x1] =	stream.indirect.gather [hbm4b:s3+s12], $0x80, s2, s12, $0xb8;
	[tilespmem:$0x10480] =	vst v63  }
0x2c: {  	_ = 	snop  }
0x2d: {  	[tilespmem:s16], [sflag:$0x1] =	stream.indirect.gather [hbm4b:s3+s12], $0x80, s12, s12, $0xb8;
	[tilespmem:$0x10480] =	vst v63  }
0x2e: {  	_ = 	snop  }
0x2f: {  	[tilespmem:s17], [sflag:$0x1] =	stream.indirect.gather [hbm4b:s3+s12], $0x80, s13, s12, $0xb8;
	[tilespmem:$0x10480] =	vst v63  }
0x30: {  	_ =	swait.ge [sflag:s14], $0x4000  }
0x31: {  	[sflag:s14] =	ssyncset.done $0x0  }
0x32: {  	[sflag:s14] =	ssyncadd.s32 $0xFFFFC000  }
0x33: {  	_ =	swait.ge [sflag:s14], $0x4000  }
0x34: {  	[sflag:s14] =	ssyncset.done $0x0  }
0x35: {  	[sflag:s14] =	ssyncadd.s32 $0xFFFFC000  }
0x36: {  	_ =	swait.ge [sflag:s14], $0x4000  }
0x37: {  	[sflag:s14] =	ssyncset.done $0x0  }
0x38: {  	s23 =	simm.s32 $0x0;
	[sflag:s14] =	ssyncadd.s32 $0xFFFFC000  }
0x39: {  	v4 =	vld [tilespmem:s23+$0x8490]  }
0x3a: {  	v3 =	vld [tilespmem:s23+$0x84A0]  }
0x3b: {  	v1 =	vld [tilespmem:s23+$0x84D0]  }
0x3c: {  	v2 =	vld [tilespmem:s23+$0x4D0]  }
0x3d: {  	v5 =	vld [tilespmem:s23+$0x44D0]  }
0x3e: {  	v6 =	vld [tilespmem:s23+$0x4E0]  }
0x3f: {  	v7 =	vld [tilespmem:s23+$0x44E0]  }
0x40: {  	v8 =	vld [tilespmem:s23+$0x4F0]  }
0x41: {  	v9 =	vld.msk [tilespmem:s22+$0x0 ss:$0x0], $0xffff  }
0x42: {  	v10 =	vld.msk [tilespmem:s24+$0x0 ss:$0x0], $0xffff  }
0x43: {  	v11 =	vld [tilespmem:s23+$0x44F0]  }
0x44: {  	v12 =	vld.msk [tilespmem:s21+$0x0 ss:$0x0], $0xffff  }
0x45: {  	v13 =	vld [tilespmem:s23+$0x84F0]  }
0x46: {  	v14 =	vld [tilespmem:s23+$0x84E0]  }
0x47: {  	v15 =	vld [tilespmem:s23+$0x4C0]  }
0x48: {  	v16 =	vld [tilespmem:s23+$0x44C0];
	v2 =	vmul.f32 v2, v9  }
0x49: {  	v17 =	vld [tilespmem:s23+$0x84C0];
	v8 =	vmul.f32 v8, v9;
	v11 =	vmul.f32 v11, v10  }
0x4a: {  	v18 =	vld [tilespmem:s23+$0x4B0];
	v6 =	vmul.f32 v6, v9;
	v5 =	vmul.f32 v5, v10  }
0x4b: {  	v7 =	vmul.f32 v7, v10;
	v8 =	vadd.f32 v11, v8;
	v11 =	vmul.f32 v13, v12;
	v13 =	vld [tilespmem:s23+$0x44B0]  }
0x4c: {  	v1 =	vmul.f32 v1, v12;
	v2 =	vadd.f32 v5, v2;
	v5 =	vld [tilespmem:s23+$0x4A0]  }
0x4d: {  	v6 =	vadd.f32 v7, v6;
	v7 =	vmul.f32 v14, v12;
	v8 =	vadd.f32 v11, v8;
	v11 =	vld [tilespmem:s23+$0x44A0]  }
0x4e: {  	v0 =	vld [tilespmem:s23+$0x84B0];
	v14 =	vmul.f32 v15, v9;
	v15 =	vmul.f32 v16, v10  }
0x4f: {  	v63 =	vld [tilespmem:s23+$0x490];
	v1 =	vadd.f32 v1, v2;
	v2 =	vadd.f32 v7, v6;
	v7 =	vmul.f32 v17, v12  }
0x50: {  	v6 =	vld [tilespmem:s23+$0x4490];
	[tilespmem:s23+$0xC4F0] =	vst v8;
	v8 =	vadd.f32 v15, v14;
	v15 =	vmul.f32 v18, v9;
	v13 =	vmul.f32 v13, v10  }
0x51: {  	[tilespmem:s23+$0xC4D0] =	vst v1;
	v14 =	vld [tilespmem:s23+$0x480];
	v5 =	vmul.f32 v5, v9  }
0x52: {  	s22 =	simm.s32 $0x80;
	[tilespmem:s23+$0xC4E0] =	vst v2;
	v2 =	vadd.f32 v7, v8;
	v8 =	vadd.f32 v13, v15;
	v13 =	vld [tilespmem:s23+$0x4480];
	v11 =	vmul.f32 v11, v10  }
0x53: {  	v1 =	vld [tilespmem:s22+$0x8490];
	v7 =	vmul.f32 v0, v12  }
0x54: {  	v15 =	vmul.f32 v63, v9;
	v5 =	vadd.f32 v11, v5;
	v11 =	vld [tilespmem:s23+$0x8480]  }
0x55: {  	v0 =	vld [tilespmem:s22+$0x84A0];
	v6 =	vmul.f32 v6, v10;
	[tilespmem:s23+$0xC4C0] =	vst v2;
	v7 =	vadd.f32 v7, v8;
	v8 =	vmul.f32 v3, v12  }
0x56: {  	v4 =	vmul.f32 v4, v12;
	v2 =	vld [tilespmem:s22+$0x84B0];
	v9 =	vmul.f32 v14, v9  }
0x57: {  	v3 =	vld [tilespmem:s22+$0x84C0];
	[tilespmem:s23+$0xC4B0] =	vst v7;
	v5 =	vadd.f32 v8, v5;
	v8 =	vadd.f32 v6, v15;
	v13 =	vmul.f32 v13, v10  }
0x58: {  	v7 =	vld [tilespmem:s22+$0x84D0]  }
0x59: {  	v6 =	vld [tilespmem:s22+$0x84E0];
	[tilespmem:s23+$0xC4A0] =	vst v5;
	v4 =	vadd.f32 v4, v8;
	v5 =	vmul.f32 v11, v12;
	v9 =	vadd.f32 v13, v9  }
0x5a: {  	v10 =	vld [tilespmem:s22+$0x4D0]  }
0x5b: {  	v8 =	vld [tilespmem:s22+$0x44D0];
	[tilespmem:s23+$0xC490] =	vst v4;
	v4 =	vadd.f32 v5, v9  }
0x5c: {  	v11 =	vld [tilespmem:s22+$0x4E0]  }
0x5d: {  	v9 =	vld [tilespmem:s22+$0x44E0];
	[tilespmem:s23+$0xC480] =	vst v4  }
0x5e: {  	s23 =	simm.s32 $0x181;
	v12 =	vld [tilespmem:s22+$0x4F0]  }
0x5f: {  	s24 =	simm.s32 $0x281;
	v4 =	vld.msk [tilespmem:s23+$0x0 ss:$0x0], $0xffff  }
0x60: {  	s25 =	simm.s32 $0x400;
	v5 =	vld.msk [tilespmem:s24+$0x0 ss:$0x0], $0xffff  }
.LBB2_2:
0x61: {  	p0 =	sne.s32 s25, $0xFE00;
	v13 =	vld [tilespmem:s22+$0x44F0];
	s21 =	sadd.s32 $0x1, s21  }
0x62: {  	v14 =	vld.msk [tilespmem:s21+$0x0 ss:$0x0], $0xffff  }
0x63: {  	v15 =	vld [tilespmem:s22+$0x84F0]  }
0x64: {  	v16 =	vld [tilespmem:s22+$0x4C0]  }
0x65: {  	v10 =	vmul.f32 v10, v4;
	v11 =	vmul.f32 v11, v4;
	v17 =	vld [tilespmem:s22+$0x44C0]  }
0x66: {  	v12 =	vmul.f32 v12, v4;
	v18 =	vld [tilespmem:s22+$0x4B0];
	v13 =	vmul.f32 v13, v5  }
0x67: {  	v8 =	vmul.f32 v8, v5;
	v9 =	vmul.f32 v9, v5;
	v19 =	vld [tilespmem:s22+$0x44B0]  }
0x68: {  	v7 =	vmul.f32 v7, v14;
	v20 =	vld [tilespmem:s22+$0x4A0];
	v12 =	vadd.f32 v13, v12;
	v13 =	vmul.f32 v15, v14  }
0x69: {  	v8 =	vadd.f32 v8, v10;
	v9 =	vadd.f32 v9, v11;
	v6 =	vmul.f32 v6, v14;
	v15 =	vld [tilespmem:s22+$0x44A0]  }
0x6a: {  	v11 =	vmul.f32 v16, v4;
	v10 =	vld [tilespmem:s22+$0x490];
	v16 =	vmul.f32 v17, v5;
	v12 =	vadd.f32 v13, v12  }
0x6b: {  	v3 =	vmul.f32 v3, v14;
	v7 =	vadd.f32 v7, v8;
	v6 =	vadd.f32 v6, v9;
	v13 =	vld [tilespmem:s22+$0x4490]  }
0x6c: {  	v9 =	vmul.f32 v18, v4;
	v8 =	vld [tilespmem:s22+$0x480];
	v17 =	vmul.f32 v19, v5;
	v11 =	vadd.f32 v16, v11;
	[tilespmem:s22+$0xC4F0] =	vst v12  }
0x6d: {  	v2 =	vmul.f32 v2, v14;
	v12 =	vld [tilespmem:s22+$0x4480];
	v16 =	vmul.f32 v20, v4;
	[tilespmem:s22+$0xC4D0] =	vst v7  }
0x6e: {  	s26 =	sshra.s32 s25, $0x2;
	v18 =	vld [tilespmem:s22+$0x8480];
	v7 =	vmul.f32 v15, v5;
	v9 =	vadd.f32 v17, v9;
	v3 =	vadd.f32 v3, v11;
	[tilespmem:s22+$0xC4E0] =	vst v6  }
0x6f: {  	v11 =	vld [tilespmem:s26+$0x8490];
	v6 =	vmul.f32 v10, v4;
	v10 =	vmul.f32 v0, v14  }
0x70: {  	v0 =	vld [tilespmem:s26+$0x84A0];
	v13 =	vmul.f32 v13, v5;
	v7 =	vadd.f32 v7, v16;
	v9 =	vadd.f32 v2, v9;
	[tilespmem:s22+$0xC4C0] =	vst v3  }
0x71: {  	v15 =	vmul.f32 v1, v14;
	v2 =	vld [tilespmem:s26+$0x84B0];
	v4 =	vmul.f32 v8, v4  }
0x72: {  	v3 =	vld [tilespmem:s26+$0x84C0];
	v5 =	vmul.f32 v12, v5;
	v8 =	vadd.f32 v13, v6;
	v10 =	vadd.f32 v10, v7;
	[tilespmem:s22+$0xC4B0] =	vst v9  }
0x73: {  	v7 =	vld [tilespmem:s26+$0x84D0];
	v9 =	vmul.f32 v18, v14  }
0x74: {  	v6 =	vld [tilespmem:s26+$0x84E0];
	v4 =	vadd.f32 v5, v4;
	v5 =	vadd.f32 v15, v8;
	[tilespmem:s22+$0xC4A0] =	vst v10;
	v1 =	vmov v11  }
0x75: {  	v10 =	vld [tilespmem:s26+$0x4D0]  }
0x76: {  	v8 =	vld [tilespmem:s26+$0x44D0];
	v4 =	vadd.f32 v9, v4;
	[tilespmem:s22+$0xC490] =	vst v5  }
.Ltmp0:
0x77: {  	v11 =	vld [tilespmem:s26+$0x4E0];
	(pc) =	sbr.rel @p0 .LBB2_2-.Ltmp0, $4  }
0x78: {  	v9 =	vld [tilespmem:s26+$0x44E0];
	[tilespmem:s22+$0xC480] =	vst v4;
	s22 =	smov.u32 s26  }
0x79: {  	s23 =	sadd.s32 $0x1, s23;
	v12 =	vld [tilespmem:s22+$0x4F0]  }
0x7a: {  	s24 =	sadd.s32 $0x1, s24;
	v4 =	vld.msk [tilespmem:s23+$0x0 ss:$0x0], $0xffff  }
0x7b: {  	s25 =	sadd.s32 $0x200, s25;
	v5 =	vld.msk [tilespmem:s24+$0x0 ss:$0x0], $0xffff  }
0x7c: {  	v13 =	vld [tilespmem:s22+$0x44F0]  }
0x7d: {  	v16 =	vld [tilespmem:s22+$0x4C0]  }
0x7e: {  	v17 =	vld [tilespmem:s22+$0x44C0]  }
0x7f: {  	v18 =	vld [tilespmem:s22+$0x4B0]  }
0x80: {  	v19 =	vld [tilespmem:s22+$0x44B0]  }
0x81: {  	v20 =	vld [tilespmem:s22+$0x4A0]  }
0x82: {  	v21 =	vld [tilespmem:s22+$0x490]  }
0x83: {  	v47 =	vld [tilespmem:s22+$0x4490]  }
0x84: {  	v48 =	vld [tilespmem:s22+$0x480];
	v12 =	vmul.f32 v12, v4;
	v10 =	vmul.f32 v10, v4  }
0x85: {  	s21 =	sadd.s32 $0x1, s21;
	v51 =	vld [tilespmem:s22+$0x4480];
	v11 =	vmul.f32 v11, v4;
	v8 =	vmul.f32 v8, v5  }
0x86: {  	v14 =	vld.msk [tilespmem:s21+$0x0 ss:$0x0], $0xffff;
	v9 =	vmul.f32 v9, v5;
	v13 =	vmul.f32 v13, v5  }
0x87: {  	v15 =	vld [tilespmem:s22+$0x84F0];
	v49 =	vmul.f32 v16, v4;
	v50 =	vmul.f32 v17, v5  }
0x88: {  	v52 =	vmul.f32 v18, v4;
	v53 =	vmul.f32 v19, v5  }
0x89: {  	v45 =	vld [tilespmem:s22+$0x44A0];
	v55 =	vmul.f32 v20, v4;
	v57 =	vmul.f32 v21, v4  }
0x8a: {  	v58 =	vmul.f32 v47, v5;
	v59 =	vmul.f32 v48, v4  }
0x8b: {  	v56 =	vld [tilespmem:s22+$0x8480];
	v60 =	vmul.f32 v51, v5;
	v8 =	vadd.f32 v8, v10;
	v7 =	vmul.f32 v7, v14  }
0x8c: {  	v44 =	vmul.f32 v15, v14;
	v9 =	vadd.f32 v9, v11;
	v6 =	vmul.f32 v6, v14  }
0x8d: {  	v3 =	vmul.f32 v3, v14;
	v12 =	vadd.f32 v13, v12;
	v7 =	vadd.f32 v7, v8  }
0x8e: {  	v15 =	vmul.f32 v45, v5;
	v54 =	vadd.f32 v50, v49;
	v6 =	vadd.f32 v6, v9  }
0x8f: {  	v1 =	vmul.f32 v1, v14;
	v61 =	vadd.f32 v58, v57;
	v46 =	vadd.f32 v44, v12;
	[tilespmem:s22+$0xC4D0] =	vst v7  }
0x90: {  	v62 =	vmul.f32 v56, v14;
	v4 =	vadd.f32 v60, v59;
	v3 =	vadd.f32 v3, v54;
	[tilespmem:s22+$0xC4E0] =	vst v6  }
0x91: {  	v2 =	vmul.f32 v2, v14;
	v9 =	vadd.f32 v53, v52;
	v1 =	vadd.f32 v1, v61;
	[tilespmem:s22+$0xC4F0] =	vst v46  }
0x92: {  	v0 =	vmul.f32 v0, v14;
	v8 =	vadd.f32 v15, v55;
	v63 =	vadd.f32 v62, v4;
	[tilespmem:s22+$0xC4C0] =	vst v3  }
0x93: {  	v2 =	vadd.f32 v2, v9;
	[tilespmem:s22+$0xC490] =	vst v1  }
0x94: {  	s20 =	sadd.s32 $0x1, s20;
	v0 =	vadd.f32 v0, v8;
	[tilespmem:s22+$0xC480] =	vst v63  }
0x95: {  	p0 =	sne.s32 s20, s11;
	[tilespmem:s22+$0xC4B0] =	vst v2  }
.Ltmp1:
0x96: {  	[tilespmem:s22+$0xC4A0] =	vst v0;
	(pc) =	sbr.rel @p0 .LBB2_1-.Ltmp1, $4  }
0x97: {  	[hbm4b:s10+s2] =	stream.linear.scatter [tilespmem:s18], [sflag:$0x2], $0x4000, $0x38;
	[tilespmem:$0x10480] =	vst v63  }
0x98: {  	_ =	swait.ge [sflag:s19], $0x4000  }
0x99: {  	[sflag:s19] =	ssyncset.done $0x0  }
0x9a: {  	[sflag:s19] =	ssyncadd.s32 $0xFFFFC000  }
0x9b: {  	_ =	sfence.sel $0x180000  }
0x9c: {  	[bflag:$0x0] =	sbarrier.arrive $0xFFFF  }
0x9d: {  	p0 =	sne.s32 s1, $0x0;
	_ =	strace $0x9000004A  }
0x9e: {  	s0 =	sadd.s32 @!p0 $0x100000, s0;
	[bflag:$0x2] =	sbarrier.arrive $0xFFFF  }
0x9f: {  	[sflag:s0] =	ssyncadd.tile.s32 @!p0 $0x1;
	_ =	shalt  }
.Lfunc_end2:
_tile_overlayer_lowered:
.L_overlay_start_2:
0xa0: {  	(tag) =	ssettag $0x2  }
0xa1: {  	s0 =	rddreg [dreg:$0x0];
	s2 =	stileid.u32  }
0xa2: {  	s1 =	rddreg [dreg:$0x1];
	p0 =	sne.s32 s2, $0x0  }
0xa3: {  	s3 =	rddreg [dreg:$0x2];
	[bflag:$0x3] =	sbarrier.arrive $0xFFFF;
	s2 =	simm.s32 @!p0 $0x1C02  }
0xa4: {  	[timem:s3], [sflag:s2] =	dma.local @!p0 [hbm:s0], s1  }
0xa5: {  	s0 =	simm.s32 @!p0 $0x2  }
0xa6: {  	_ =	swait.ge @!p0 [sflag:s0], s1  }
0xa7: {  	s1 =	ssub.s32 @!p0 $0x0, s1;
	[sflag:s0] =	ssyncset.done @!p0 $0x0  }
0xa8: {  	[sflag:s0] =	ssyncadd.s32 @!p0 s1  }
0xa9: {  	[bflag:$0x3] =	sbarrier.arrive $0xFFFF  }
0xaa: {  	_ =	shalt  }

// kernel: kernel.9.cloned.1.call-start
scs
__scs_entry_jumppad:
0x0: {  	(pc) =	sbr.rel $0x88, $3  }
0x1: {  	(tag) =	ssettag $0x0;
	lr =	simm.s32 $0x1  }
0x2: {  	[smem:$0x3F9E] =	sst lr;
	_ =	strace $0xD0000000  }
0x3: {  	_ = 	snop  }
0x4: {  	_ = 	snop  }
0x5: {  	_ = 	snop  }
0x6: {  	_ = 	snop  }
0x7: {  	_ = 	snop  }
__scs_overlays_trampoline_lowered:
0x8: {  	[smem:$0x3FAD] =	sst s0  }
0x9: {  	[smem:$0x3FAE] =	sst s1  }
0xa: {  	[smem:$0x3FAF] =	sst s2  }
0xb: {  	[smem:$0x3FB0] =	sst s3  }
0xc: {  	[smem:$0x3FB1] =	sst s4  }
0xd: {  	[smem:$0x3FB2] =	sst s5  }
0xe: {  	[smem:$0x3FB3] =	sst s6  }
0xf: {  	[smem:$0x3FB4] =	sst s7  }
0x10: {  	[smem:$0x3FB5] =	sst s8  }
0x11: {  	[smem:$0x3FB6] =	sst s9;
	s0 =	simm.s32 @!p0 $0x0  }
0x12: {  	s1 =	sld [smem:$0x3F9C];
	s0 =	simm.s32 @p0 $0x1  }
0x13: {  	[smem:$0x3FB7] =	sst s0;
	s0 =	simm.s32 @!p1 $0x0  }
0x14: {  	s2 =	sld [smem:$0x3F9B];
	s0 =	simm.s32 @p1 $0x1  }
0x15: {  	[smem:$0x3FB8] =	sst s0;
	s0 =	simm.s32 @!p2 $0x0  }
0x16: {  	s3 =	sld [smem:$0x3FDB];
	s0 =	simm.s32 @p2 $0x1  }
0x17: {  	s4 =	simm.s32 $0x1BF5;
	[smem:$0x3FBA] =	sst s0  }
0x18: {  	s0 =	sld [smem:$0x3F9D];
	_ =	swait.ge [sflag:s4], $0x0  }
0x19: {  	s7 =	sld [smem:$0x3F9E]  }
0x1a: {  	s8 =	sadd.s32 $0xFFFFE003, lr  }
0x1b: {  	s9 =	sadd.s32 $0xFFFFFEF7, lr;
	s5 =	simm.s32 $0xFFFFFFFF;
	p2 =	slt.u32 s8, $0xFFFFF086  }
0x1c: {  	p1 =	slt.u32 s9, $0xF7A;
	s5 =	simm.s32 @!p2 $0x0  }
0x1d: {  	s5 =	simm.s32 @p1 $0x1;
	p0 =	seq.s32 s7, s2  }
0x1e: {  	s7 =	smul.u32 @!p0 $0xF7A, s2;
	p2 =	seq.s32 @!p0 s5, $0x0  }
0x1f: {  	s9 =	smul.u32 $0xF7A, s1;
	s8 =	simm.s32 @!p0 $0x1BF5;
	p2 =	por !p2, p0  }
0x20: {  	[sflag:s8] =	ssyncset.s32 @!p0 $0xFFFFF086;
	s6 =	sadd.s32 @!p0 s3, s7;
	s7 =	simm.s32 @!p0 $0x108  }
0x21: {  	s3 =	sadd.s32 s3, s9;
	s6 =	sadd.s32 @!p0 $0x88, s6;
	s7 =	simm.s32 @p2 $0x1082  }
0x22: {  	[simem:s7], [sflag:s8] =	dma.local @!p0 [hbm:s6], $0xF7A  }
0x23: {  	s9 =	sor.u32 $0xD0000000, s2;
	s6 =	simm.s32 $0x108;
	_ =	swait.ge @!p0 [sflag:s8], $0x0  }
0x24: {  	s3 =	sadd.s32 $0x88, s3;
	s6 =	simm.s32 @!p1 $0x1082;
	[sflag:s4] =	ssyncset.s32 $0xFFFFF086  }
0x25: {  	[simem:s6], [sflag:s4] =	dma.local [hbm:s3], $0xF7A  }
0x26: {  	[smem:$0x3F9E] =	sst s1;
	(tag) =	ssettag s2;
	_ =	strace s9  }
0x27: {  	s1 =	sld [smem:$0x3FAE]  }
0x28: {  	s2 =	sld [smem:$0x3FAF]  }
0x29: {  	s4 =	sld [smem:$0x3FB1]  }
0x2a: {  	p0 =	seq.s32 s5, $0x0;
	s5 =	sld [smem:$0x3FB2]  }
0x2b: {  	s6 =	sld [smem:$0x3FB3]  }
0x2c: {  	s7 =	sld [smem:$0x3FB4]  }
0x2d: {  	s3 =	simm.s32 $0x108;
	s8 =	sld [smem:$0x3FB5]  }
0x2e: {  	s3 =	simm.s32 @!p0 $0x1082;
	s9 =	sld [smem:$0x3FB6]  }
0x2f: {  	lr =	sadd.s32 s0, s3;
	s0 =	sld [smem:$0x3FAD]  }
0x30: {  	s3 =	sld [smem:$0x3FB0]  }
0x31: {  	[smem:$0x3FB9] =	sst s10  }
0x32: {  	s10 =	sld [smem:$0x3FB7];
	_ =	sdelay $0x3  }
0x33: {  	p0 =	seq.s32 s10, $0x1;
	s10 =	sld [smem:$0x3FB9];
	_ =	sdelay $0x3  }
0x34: {  	[smem:$0x3FB9] =	sst s10  }
0x35: {  	s10 =	sld [smem:$0x3FB8];
	_ =	sdelay $0x3  }
0x36: {  	p1 =	seq.s32 s10, $0x1;
	s10 =	sld [smem:$0x3FB9];
	_ =	sdelay $0x3  }
0x37: {  	[smem:$0x3FB9] =	sst s10  }
0x38: {  	s10 =	sld [smem:$0x3FBA]  }
0x39: {  	_ = 	snop;
	(pc) =	sbr.ind lr, $3  }
0x3a: {  	_ = 	snop  }
0x3b: {  	_ = 	snop  }
0x3c: {  	p2 =	seq.s32 s10, $0x1;
	s10 =	sld [smem:$0x3FB9]  }
0x3d: {  	_ =	shalt  }
0x3e: {  	_ =	shalt  }
0x3f: {  	_ =	shalt  }
0x40: {  	_ =	shalt  }
0x41: {  	_ =	shalt  }
0x42: {  	_ =	shalt  }
0x43: {  	_ =	shalt  }
0x44: {  	_ =	shalt  }
0x45: {  	_ =	shalt  }
0x46: {  	_ =	shalt  }
0x47: {  	_ =	shalt  }
0x48: {  	_ =	shalt  }
0x49: {  	_ =	shalt  }
0x4a: {  	_ =	shalt  }
0x4b: {  	_ =	shalt  }
0x4c: {  	_ =	shalt  }
0x4d: {  	_ =	shalt  }
0x4e: {  	_ =	shalt  }
0x4f: {  	_ =	shalt  }
0x50: {  	_ =	shalt  }
0x51: {  	_ =	shalt  }
0x52: {  	_ =	shalt  }
0x53: {  	_ =	shalt  }
0x54: {  	_ =	shalt  }
0x55: {  	_ =	shalt  }
0x56: {  	_ =	shalt  }
0x57: {  	_ =	shalt  }
0x58: {  	_ =	shalt  }
0x59: {  	_ =	shalt  }
0x5a: {  	_ =	shalt  }
0x5b: {  	_ =	shalt  }
0x5c: {  	_ =	shalt  }
0x5d: {  	_ =	shalt  }
0x5e: {  	_ =	shalt  }
0x5f: {  	_ =	shalt  }
0x60: {  	_ =	shalt  }
0x61: {  	_ =	shalt  }
0x62: {  	_ =	shalt  }
0x63: {  	_ =	shalt  }
0x64: {  	_ =	shalt  }
0x65: {  	_ =	shalt  }
0x66: {  	_ =	shalt  }
0x67: {  	_ =	shalt  }
0x68: {  	_ =	shalt  }
0x69: {  	_ =	shalt  }
0x6a: {  	_ =	shalt  }
0x6b: {  	_ =	shalt  }
0x6c: {  	_ =	shalt  }
0x6d: {  	_ =	shalt  }
0x6e: {  	_ =	shalt  }
0x6f: {  	_ =	shalt  }
0x70: {  	_ =	shalt  }
0x71: {  	_ =	shalt  }
0x72: {  	_ =	shalt  }
0x73: {  	_ =	shalt  }
0x74: {  	_ =	shalt  }
0x75: {  	_ =	shalt  }
0x76: {  	_ =	shalt  }
0x77: {  	_ =	shalt  }
0x78: {  	_ =	shalt  }
0x79: {  	_ =	shalt  }
0x7a: {  	_ =	shalt  }
0x7b: {  	_ =	shalt  }
0x7c: {  	_ =	shalt  }
0x7d: {  	_ =	shalt  }
0x7e: {  	_ =	shalt  }
0x7f: {  	_ =	shalt  }
0x80: {  	_ =	shalt  }
0x81: {  	_ =	shalt  }
0x82: {  	_ =	shalt  }
0x83: {  	_ =	shalt  }
0x84: {  	_ =	shalt  }
0x85: {  	_ =	shalt  }
0x86: {  	_ =	shalt  }
0x87: {  	_ =	shalt  }
.Lfunc_end0:
.L_simem_size_0:
called_computation.1_lowered:
.L_overlay_start_0:
0x88: {  	s2 =	sld [smem:$0x3FD9]  }
0x89: {  	s3 =	sld [smem:$0x3FFE];
	_ =	sdelay $0x1  }
0x8a: {  	s1 =	srdreg.scid  }
0x8b: {  	s0 =	sand.u32 $0x1, s1  }
0x8c: {  	s14 =	sshll.u32 s0, $0xA;
	s2 =	sadd.s32 s3, s2  }
0x8d: {  	s2 =	sadd.s32 s2, s14  }
0x8e: {  	[smem:$0x3FC5] =	sst s2  }
0x8f: {  	_ = 	snop  }
0x90: {  	s2 =	sld [smem:$0x3FD0];
	_ =	sdelay $0x2  }
0x91: {  	s15 =	simm.s32 $0xB;
	s4 =	simm.s32 $0x10  }
0x92: {  	[smem:s4], [sflag:s15] =	dma.local [hbm:s2], $0x1  }
0x93: {  	_ =	swait.eq [sflag:s15], $0x1  }
0x94: {  	[sflag:s15] =	ssyncset.done $0x0  }
0x95: {  	[sflag:s15] =	ssyncadd.s32 $0xFFFFFFFF  }
0x96: {  	s16 =	sld [smem:$0x10];
	(tm) =	ssettm $0x1  }
0x97: {  	s17 =	sld [smem:$0x3FFB];
	_ =	sdelay $0x3  }
0x98: {  	_ =	strace s17  }
0x99: {  	s3 =	sld [smem:$0x3FFC];
	_ =	sdelay $0x3  }
0x9a: {  	_ =	strace s3  }
0x9b: {  	s3 =	sld [smem:$0x3FFD];
	_ =	sdelay $0x3  }
0x9c: {  	_ =	strace s3  }
0x9d: {  	_ =	strace $0x8FFFFFFF  }
0x9e: {  	s18 =	sld [smem:$0x3FDB];
	_ =	sdelay $0x1  }
0x9f: {  	s19 =	simm.s32 $_scs_section_size  }
0xa0: {  	s5 =	simm.s32 $_size__tile_overlayer_lowered;
	s6 =	simm.s32 $_tile_overlayer_lowered  }
0xa1: {  	s22 =	simm.s32 $0x1BFF;
	s21 =	sshll.u32 s6, $0x1;
	s3 =	sadd.s32 s19, s18  }
0xa2: {  	s7 =	simm.s32 $0x0;
	s20 =	sshll.u32 s5, $0x1;
	s5 =	sadd.s32 s21, s3  }
0xa3: {  	[timem:s7], [sflag:s22] =	dma.local [hbm:s5], s20  }
0xa4: {  	_ =	swait.ge [sflag:s22], s20  }
0xa5: {  	s4 =	ssub.s32 $0x0, s20;
	[sflag:s22] =	ssyncset.done $0x0  }
0xa6: {  	[sflag:s22] =	ssyncadd.s32 s4;
	_ =	sdelay $0x1  }
0xa7: {  	s23 =	simm.s32 $0x1B8B  }
0xa8: {  	_ =	swait.ge [sflag:s23], $0x1  }
0xa9: {  	[sflag:s23] =	ssyncset.done $0x0  }
0xaa: {  	s25 =	simm.s32 $0x1B8E;
	s24 =	sld [smem:$0x3FFE];
	[sflag:s23] =	ssyncadd.s32 $0xFFFFFFFF  }
0xab: {  	s26 =	simm.s32 $execute0_lowered;
	[smem:$0x3FD2] =	sst s25  }
0xac: {  	s5 =	sshll.u32 s26, $0x1;
	_ =	strace $0x80000046;
	[dreg:$0x1] =	wrdreg $0xFFFFFFFF  }
0xad: {  	s28 =	simm.s32 $_size_execute0_lowered;
	s3 =	sadd.s32 s3, s5;
	[dreg:$0x0] =	wrdreg $0x0  }
0xae: {  	s5 =	sshll.u32 s28, $0x1;
	[dreg:$0x2] =	wrdreg s3  }
0xaf: {  	[dreg:$0x3] =	wrdreg s5  }
0xb0: {  	[dreg:$0x4] =	wrdreg $0xC0  }
0xb1: {  	_ =	task [dreg:s7], $0x5FFFF  }
0xb2: {  	[dreg:$0x1] =	wrdreg $0xFFFFFFFF  }
0xb3: {  	[dreg:$0x0] =	wrdreg $0x60  }
0xb4: {  	[dreg:$0x2] =	wrdreg s24  }
0xb5: {  	[dreg:$0x3] =	wrdreg s16  }
0xb6: {  	[dreg:$0x4] =	wrdreg $0xA  }
0xb7: {  	_ =	task.clear_ibuf [dreg:s7], $0x5FFFF;
	_ =	strace $0x90000046  }
0xb8: {  	s29 =	simm.s32 $0xA;
	_ =	strace $0x80000048  }
0xb9: {  	_ =	swait.ge [sflag:s29], $0x1  }
0xba: {  	[sflag:s29] =	ssyncadd.s32 $0xFFFFFFFF  }
0xbb: {  	_ =	strace $0x90000048  }
0xbc: {  	_ =	sfence  }
0xbd: {  	s30 =	sld [smem:$0x0];
	_ =	sdelay $0x2  }
0xbe: {  	s31 =	sshll.u32 s1, $0xD;
	s1 =	sshrl.u32 s1, $0x2  }
0xbf: {  	s3 =	sand.u32 $0x4000, s31;
	s1 =	sadd.s32 s1, s30  }
0xc0: {  	s0 =	sor.u32 s3, s0;
	s1 =	sshll.u32 s1, $0x11  }
0xc1: {  	s0 =	sor.u32 s1, s0  }
0xc2: {  	s0 =	sadd.s32 $0x8F2B, s0  }
0xc3: {  	[sflag:s0] =	ssyncadd.remote.s32 $0x1  }
0xc4: {  	_ =	sfence.sel $0xFFFF  }
0xc5: {  	[dreg:$0x0] =	wrdreg $0xFFFFFFFF;
	(pc) =	sbr.abs _section_cstart, $3  }
0xc6: {  	[dreg:$0x1] =	wrdreg $0xFFFFFFFF  }
0xc7: {  	_ =	task.clear_ibuf [dreg:s7], $0x2FFFF;
	_ =	strace $0x9FFFFFFF  }
0xc8: {  	(tm) =	ssettm $0x7FFFFFFF  }
0xc9: {  	_ =	shalt  }
tec
execute0_lowered:
.L_overlay_start_1:
0x0: {  	(tag) =	ssettag $0x1  }
0x1: {  	s5 =	rddreg [dreg:$0x0]  }
0x2: {  	s6 =	rddreg [dreg:$0x1]  }
0x3: {  	s0 =	rddreg [dreg:$0x2]  }
0x4: {  	s3 =	srdreg.scid;
	s2 =	simm.s32 $0x0;
	s1 =	stileid.u32  }
0x5: {  	s13 =	simm.s32 $0x100;
	s14 =	simm.s32 $0x1;
	s15 =	simm.s32 $0x480  }
0x6: {  	s16 =	simm.s32 $0x4480;
	s17 =	simm.s32 $0x8480;
	s18 =	simm.s32 $0xC480  }
0x7: {  	s19 =	simm.s32 $0x2;
	s20 =	simm.s32 $0x0;
	s4 =	sand.u32 $0x1, s3  }
0x8: {  	[smem:$0x7FF] =	sst s2;
	s31 =	sshll.u32 s1, $0x8;
	s7 =	sshll.u32 s4, $0x7  }
0x9: {  	s3 =	sadd.s32 $0xA00, s5;
	s8 =	ssub.s32 $0x2, s4;
	s7 =	sor.u32 s7, s31  }
0xa: {  	_ =	strace $0x80000047;
	s10 =	sshrl.u32 s8, $0x1;
	s9 =	sshrl.u32 s7, $0x3  }
0xb: {  	s7 =	sshll.u32 s7, $0x4;
	s12 =	ssub.s32 s8, s10;
	s4 =	sadd.s32 s5, s9  }
0xc: {  	s11 =	sadd.s32 s7, s5;
	s6 =	sadd.s32 s6, s9;
	s5 =	sadd.s32 $0x200, s4  }
0xd: {  	s7 =	sadd.s32 $0x800, s4;
	s8 =	sadd.s32 $0x600, s4;
	s9 =	sadd.s32 $0x400, s4  }
0xe: {  	s10 =	sadd.s32 $0x40A00, s11;
	s11 =	smax.u32 s12, $0x1;
	s12 =	simm.s32 $0x80  }
.LBB2_1:
0xf: {  	[tilespmem:s2], [sflag:$0x1] =	stream.linear.gather [hbm4b:s5+s2], $0x80, $0x38;
	[tilespmem:$0x10480] =	vst v63  }
0x10: {  	_ = 	snop  }
0x11: {  	[tilespmem:s12], [sflag:$0x1] =	stream.linear.gather [hbm4b:s4+s2], $0x80, $0x38;
	[tilespmem:$0x10480] =	vst v63  }
0x12: {  	_ = 	snop  }
0x13: {  	[tilespmem:s13], [sflag:$0x1] =	stream.linear.gather [hbm4b:s6+s2], $0x80, $0x38;
	[tilespmem:$0x10480] =	vst v63  }
0x14: {  	s22 =	simm.s32 $0x180  }
0x15: {  	[tilespmem:s22], [sflag:$0x1] =	stream.linear.gather [hbm4b:s7+s2], $0x80, $0x38;
	[tilespmem:$0x10480] =	vst v63  }
0x16: {  	s24 =	simm.s32 $0x280  }
0x17: {  	[tilespmem:s24], [sflag:$0x1] =	stream.linear.gather [hbm4b:s8+s2], $0x80, $0x38;
	[tilespmem:$0x10480] =	vst v63  }
0x18: {  	s21 =	simm.s32 $0x380  }
0x19: {  	[tilespmem:s21], [sflag:$0x1] =	stream.linear.gather [hbm4b:s9+s2], $0x80, $0x38;
	[tilespmem:$0x10480] =	vst v63  }
0x1a: {  	_ =	swait.ge [sflag:s14], $0x80  }
0x1b: {  	[sflag:s14] =	ssyncset.done $0x0  }
0x1c: {  	[sflag:s14] =	ssyncadd.s32 $0xFFFFFF80  }
0x1d: {  	_ =	swait.ge [sflag:s14], $0x80  }
0x1e: {  	[sflag:s14] =	ssyncset.done $0x0  }
0x1f: {  	[sflag:s14] =	ssyncadd.s32 $0xFFFFFF80  }
0x20: {  	_ =	swait.ge [sflag:s14], $0x80  }
0x21: {  	[sflag:s14] =	ssyncset.done $0x0  }
0x22: {  	[sflag:s14] =	ssyncadd.s32 $0xFFFFFF80  }
0x23: {  	_ =	swait.ge [sflag:s14], $0x80  }
0x24: {  	[sflag:s14] =	ssyncset.done $0x0  }
0x25: {  	[sflag:s14] =	ssyncadd.s32 $0xFFFFFF80  }
0x26: {  	_ =	swait.ge [sflag:s14], $0x80  }
0x27: {  	[sflag:s14] =	ssyncset.done $0x0  }
0x28: {  	[sflag:s14] =	ssyncadd.s32 $0xFFFFFF80  }
0x29: {  	_ =	swait.ge [sflag:s14], $0x80  }
0x2a: {  	[sflag:s14] =	ssyncset.done $0x0  }
0x2b: {  	[sflag:s14] =	ssyncadd.s32 $0xFFFFFF80  }
0x2c: {  	[tilespmem:s15], [sflag:$0x1] =	stream.indirect.gather [hbm4b:s3+s12], $0x80, s2, s12, $0xb8;
	[tilespmem:$0x10480] =	vst v63  }
0x2d: {  	_ = 	snop  }
0x2e: {  	[tilespmem:s16], [sflag:$0x1] =	stream.indirect.gather [hbm4b:s3+s12], $0x80, s12, s12, $0xb8;
	[tilespmem:$0x10480] =	vst v63  }
0x2f: {  	_ = 	snop  }
0x30: {  	[tilespmem:s17], [sflag:$0x1] =	stream.indirect.gather [hbm4b:s3+s12], $0x80, s13, s12, $0xb8;
	[tilespmem:$0x10480] =	vst v63  }
0x31: {  	_ =	swait.ge [sflag:s14], $0x4000  }
0x32: {  	[sflag:s14] =	ssyncset.done $0x0  }
0x33: {  	[sflag:s14] =	ssyncadd.s32 $0xFFFFC000  }
0x34: {  	_ =	swait.ge [sflag:s14], $0x4000  }
0x35: {  	[sflag:s14] =	ssyncset.done $0x0  }
0x36: {  	[sflag:s14] =	ssyncadd.s32 $0xFFFFC000  }
0x37: {  	_ =	swait.ge [sflag:s14], $0x4000  }
0x38: {  	[sflag:s14] =	ssyncset.done $0x0  }
0x39: {  	s23 =	simm.s32 $0x0;
	[sflag:s14] =	ssyncadd.s32 $0xFFFFC000  }
0x3a: {  	v4 =	vld [tilespmem:s23+$0x8490]  }
0x3b: {  	v3 =	vld [tilespmem:s23+$0x84A0]  }
0x3c: {  	v1 =	vld [tilespmem:s23+$0x84D0]  }
0x3d: {  	v2 =	vld [tilespmem:s23+$0x4D0]  }
0x3e: {  	v5 =	vld [tilespmem:s23+$0x44D0]  }
0x3f: {  	v6 =	vld [tilespmem:s23+$0x4E0]  }
0x40: {  	v7 =	vld [tilespmem:s23+$0x44E0]  }
0x41: {  	v8 =	vld [tilespmem:s23+$0x4F0]  }
0x42: {  	v9 =	vld.msk [tilespmem:s22+$0x0 ss:$0x0], $0xffff  }
0x43: {  	v10 =	vld.msk [tilespmem:s24+$0x0 ss:$0x0], $0xffff  }
0x44: {  	v11 =	vld [tilespmem:s23+$0x44F0]  }
0x45: {  	v12 =	vld.msk [tilespmem:s21+$0x0 ss:$0x0], $0xffff  }
0x46: {  	v13 =	vld [tilespmem:s23+$0x84F0]  }
0x47: {  	v14 =	vld [tilespmem:s23+$0x84E0]  }
0x48: {  	v15 =	vld [tilespmem:s23+$0x4C0]  }
0x49: {  	v16 =	vld [tilespmem:s23+$0x44C0];
	v2 =	vmul.f32 v2, v9  }
0x4a: {  	v17 =	vld [tilespmem:s23+$0x84C0];
	v8 =	vmul.f32 v8, v9;
	v11 =	vmul.f32 v11, v10  }
0x4b: {  	v18 =	vld [tilespmem:s23+$0x4B0];
	v6 =	vmul.f32 v6, v9;
	v5 =	vmul.f32 v5, v10  }
0x4c: {  	v7 =	vmul.f32 v7, v10;
	v8 =	vadd.f32 v11, v8;
	v11 =	vmul.f32 v13, v12;
	v13 =	vld [tilespmem:s23+$0x44B0]  }
0x4d: {  	v1 =	vmul.f32 v1, v12;
	v2 =	vadd.f32 v5, v2;
	v5 =	vld [tilespmem:s23+$0x4A0]  }
0x4e: {  	v6 =	vadd.f32 v7, v6;
	v7 =	vmul.f32 v14, v12;
	v8 =	vadd.f32 v11, v8;
	v11 =	vld [tilespmem:s23+$0x44A0]  }
0x4f: {  	v0 =	vld [tilespmem:s23+$0x84B0];
	v14 =	vmul.f32 v15, v9;
	v15 =	vmul.f32 v16, v10  }
0x50: {  	v63 =	vld [tilespmem:s23+$0x490];
	v1 =	vadd.f32 v1, v2;
	v2 =	vadd.f32 v7, v6;
	v7 =	vmul.f32 v17, v12  }
0x51: {  	v6 =	vld [tilespmem:s23+$0x4490];
	[tilespmem:s23+$0xC4F0] =	vst v8;
	v8 =	vadd.f32 v15, v14;
	v15 =	vmul.f32 v18, v9;
	v13 =	vmul.f32 v13, v10  }
0x52: {  	[tilespmem:s23+$0xC4D0] =	vst v1;
	v14 =	vld [tilespmem:s23+$0x480];
	v5 =	vmul.f32 v5, v9  }
0x53: {  	s22 =	simm.s32 $0x80;
	[tilespmem:s23+$0xC4E0] =	vst v2;
	v2 =	vadd.f32 v7, v8;
	v8 =	vadd.f32 v13, v15;
	v13 =	vld [tilespmem:s23+$0x4480];
	v11 =	vmul.f32 v11, v10  }
0x54: {  	v1 =	vld [tilespmem:s22+$0x8490];
	v7 =	vmul.f32 v0, v12  }
0x55: {  	v15 =	vmul.f32 v63, v9;
	v5 =	vadd.f32 v11, v5;
	v11 =	vld [tilespmem:s23+$0x8480]  }
0x56: {  	v0 =	vld [tilespmem:s22+$0x84A0];
	v6 =	vmul.f32 v6, v10;
	[tilespmem:s23+$0xC4C0] =	vst v2;
	v7 =	vadd.f32 v7, v8;
	v8 =	vmul.f32 v3, v12  }
0x57: {  	v4 =	vmul.f32 v4, v12;
	v2 =	vld [tilespmem:s22+$0x84B0];
	v9 =	vmul.f32 v14, v9  }
0x58: {  	v3 =	vld [tilespmem:s22+$0x84C0];
	[tilespmem:s23+$0xC4B0] =	vst v7;
	v5 =	vadd.f32 v8, v5;
	v8 =	vadd.f32 v6, v15;
	v13 =	vmul.f32 v13, v10  }
0x59: {  	v7 =	vld [tilespmem:s22+$0x84D0]  }
0x5a: {  	v6 =	vld [tilespmem:s22+$0x84E0];
	[tilespmem:s23+$0xC4A0] =	vst v5;
	v4 =	vadd.f32 v4, v8;
	v5 =	vmul.f32 v11, v12;
	v9 =	vadd.f32 v13, v9  }
0x5b: {  	v10 =	vld [tilespmem:s22+$0x4D0]  }
0x5c: {  	v8 =	vld [tilespmem:s22+$0x44D0];
	[tilespmem:s23+$0xC490] =	vst v4;
	v4 =	vadd.f32 v5, v9  }
0x5d: {  	v11 =	vld [tilespmem:s22+$0x4E0]  }
0x5e: {  	v9 =	vld [tilespmem:s22+$0x44E0];
	[tilespmem:s23+$0xC480] =	vst v4  }
0x5f: {  	s23 =	simm.s32 $0x181;
	v12 =	vld [tilespmem:s22+$0x4F0]  }
0x60: {  	s24 =	simm.s32 $0x281;
	v4 =	vld.msk [tilespmem:s23+$0x0 ss:$0x0], $0xffff  }
0x61: {  	s25 =	simm.s32 $0x400;
	v5 =	vld.msk [tilespmem:s24+$0x0 ss:$0x0], $0xffff  }
.LBB2_2:
0x62: {  	p0 =	sne.s32 s25, $0xFE00;
	v13 =	vld [tilespmem:s22+$0x44F0];
	s21 =	sadd.s32 $0x1, s21  }
0x63: {  	v14 =	vld.msk [tilespmem:s21+$0x0 ss:$0x0], $0xffff  }
0x64: {  	v15 =	vld [tilespmem:s22+$0x84F0]  }
0x65: {  	v16 =	vld [tilespmem:s22+$0x4C0]  }
0x66: {  	v10 =	vmul.f32 v10, v4;
	v11 =	vmul.f32 v11, v4;
	v17 =	vld [tilespmem:s22+$0x44C0]  }
0x67: {  	v12 =	vmul.f32 v12, v4;
	v18 =	vld [tilespmem:s22+$0x4B0];
	v13 =	vmul.f32 v13, v5  }
0x68: {  	v8 =	vmul.f32 v8, v5;
	v9 =	vmul.f32 v9, v5;
	v19 =	vld [tilespmem:s22+$0x44B0]  }
0x69: {  	v7 =	vmul.f32 v7, v14;
	v20 =	vld [tilespmem:s22+$0x4A0];
	v12 =	vadd.f32 v13, v12;
	v13 =	vmul.f32 v15, v14  }
0x6a: {  	v8 =	vadd.f32 v8, v10;
	v9 =	vadd.f32 v9, v11;
	v6 =	vmul.f32 v6, v14;
	v15 =	vld [tilespmem:s22+$0x44A0]  }
0x6b: {  	v11 =	vmul.f32 v16, v4;
	v10 =	vld [tilespmem:s22+$0x490];
	v16 =	vmul.f32 v17, v5;
	v12 =	vadd.f32 v13, v12  }
0x6c: {  	v3 =	vmul.f32 v3, v14;
	v7 =	vadd.f32 v7, v8;
	v6 =	vadd.f32 v6, v9;
	v13 =	vld [tilespmem:s22+$0x4490]  }
0x6d: {  	v9 =	vmul.f32 v18, v4;
	v8 =	vld [tilespmem:s22+$0x480];
	v17 =	vmul.f32 v19, v5;
	v11 =	vadd.f32 v16, v11;
	[tilespmem:s22+$0xC4F0] =	vst v12  }
0x6e: {  	v2 =	vmul.f32 v2, v14;
	v12 =	vld [tilespmem:s22+$0x4480];
	v16 =	vmul.f32 v20, v4;
	[tilespmem:s22+$0xC4D0] =	vst v7  }
0x6f: {  	s26 =	sshra.s32 s25, $0x2;
	v18 =	vld [tilespmem:s22+$0x8480];
	v7 =	vmul.f32 v15, v5;
	v9 =	vadd.f32 v17, v9;
	v3 =	vadd.f32 v3, v11;
	[tilespmem:s22+$0xC4E0] =	vst v6  }
0x70: {  	v11 =	vld [tilespmem:s26+$0x8490];
	v6 =	vmul.f32 v10, v4;
	v10 =	vmul.f32 v0, v14  }
0x71: {  	v0 =	vld [tilespmem:s26+$0x84A0];
	v13 =	vmul.f32 v13, v5;
	v7 =	vadd.f32 v7, v16;
	v9 =	vadd.f32 v2, v9;
	[tilespmem:s22+$0xC4C0] =	vst v3  }
0x72: {  	v15 =	vmul.f32 v1, v14;
	v2 =	vld [tilespmem:s26+$0x84B0];
	v4 =	vmul.f32 v8, v4  }
0x73: {  	v3 =	vld [tilespmem:s26+$0x84C0];
	v5 =	vmul.f32 v12, v5;
	v8 =	vadd.f32 v13, v6;
	v10 =	vadd.f32 v10, v7;
	[tilespmem:s22+$0xC4B0] =	vst v9  }
0x74: {  	v7 =	vld [tilespmem:s26+$0x84D0];
	v9 =	vmul.f32 v18, v14  }
0x75: {  	v6 =	vld [tilespmem:s26+$0x84E0];
	v4 =	vadd.f32 v5, v4;
	v5 =	vadd.f32 v15, v8;
	[tilespmem:s22+$0xC4A0] =	vst v10;
	v1 =	vmov v11  }
0x76: {  	v10 =	vld [tilespmem:s26+$0x4D0]  }
0x77: {  	v8 =	vld [tilespmem:s26+$0x44D0];
	v4 =	vadd.f32 v9, v4;
	[tilespmem:s22+$0xC490] =	vst v5  }
.Ltmp0:
0x78: {  	v11 =	vld [tilespmem:s26+$0x4E0];
	(pc) =	sbr.rel @p0 .LBB2_2-.Ltmp0, $4  }
0x79: {  	v9 =	vld [tilespmem:s26+$0x44E0];
	[tilespmem:s22+$0xC480] =	vst v4;
	s22 =	smov.u32 s26  }
0x7a: {  	s23 =	sadd.s32 $0x1, s23;
	v12 =	vld [tilespmem:s22+$0x4F0]  }
0x7b: {  	s24 =	sadd.s32 $0x1, s24;
	v4 =	vld.msk [tilespmem:s23+$0x0 ss:$0x0], $0xffff  }
0x7c: {  	s25 =	sadd.s32 $0x200, s25;
	v5 =	vld.msk [tilespmem:s24+$0x0 ss:$0x0], $0xffff  }
0x7d: {  	v13 =	vld [tilespmem:s22+$0x44F0]  }
0x7e: {  	v16 =	vld [tilespmem:s22+$0x4C0]  }
0x7f: {  	v17 =	vld [tilespmem:s22+$0x44C0]  }
0x80: {  	v18 =	vld [tilespmem:s22+$0x4B0]  }
0x81: {  	v19 =	vld [tilespmem:s22+$0x44B0]  }
0x82: {  	v20 =	vld [tilespmem:s22+$0x4A0]  }
0x83: {  	v21 =	vld [tilespmem:s22+$0x490]  }
0x84: {  	v47 =	vld [tilespmem:s22+$0x4490]  }
0x85: {  	v48 =	vld [tilespmem:s22+$0x480];
	v12 =	vmul.f32 v12, v4;
	v10 =	vmul.f32 v10, v4  }
0x86: {  	s21 =	sadd.s32 $0x1, s21;
	v51 =	vld [tilespmem:s22+$0x4480];
	v11 =	vmul.f32 v11, v4;
	v8 =	vmul.f32 v8, v5  }
0x87: {  	v14 =	vld.msk [tilespmem:s21+$0x0 ss:$0x0], $0xffff;
	v9 =	vmul.f32 v9, v5;
	v13 =	vmul.f32 v13, v5  }
0x88: {  	v15 =	vld [tilespmem:s22+$0x84F0];
	v49 =	vmul.f32 v16, v4;
	v50 =	vmul.f32 v17, v5  }
0x89: {  	v52 =	vmul.f32 v18, v4;
	v53 =	vmul.f32 v19, v5  }
0x8a: {  	v45 =	vld [tilespmem:s22+$0x44A0];
	v55 =	vmul.f32 v20, v4;
	v57 =	vmul.f32 v21, v4  }
0x8b: {  	v58 =	vmul.f32 v47, v5;
	v59 =	vmul.f32 v48, v4  }
0x8c: {  	v56 =	vld [tilespmem:s22+$0x8480];
	v60 =	vmul.f32 v51, v5;
	v8 =	vadd.f32 v8, v10;
	v7 =	vmul.f32 v7, v14  }
0x8d: {  	v44 =	vmul.f32 v15, v14;
	v9 =	vadd.f32 v9, v11;
	v6 =	vmul.f32 v6, v14  }
0x8e: {  	v3 =	vmul.f32 v3, v14;
	v12 =	vadd.f32 v13, v12;
	v7 =	vadd.f32 v7, v8  }
0x8f: {  	v15 =	vmul.f32 v45, v5;
	v54 =	vadd.f32 v50, v49;
	v6 =	vadd.f32 v6, v9  }
0x90: {  	v1 =	vmul.f32 v1, v14;
	v61 =	vadd.f32 v58, v57;
	v46 =	vadd.f32 v44, v12;
	[tilespmem:s22+$0xC4D0] =	vst v7  }
0x91: {  	v62 =	vmul.f32 v56, v14;
	v4 =	vadd.f32 v60, v59;
	v3 =	vadd.f32 v3, v54;
	[tilespmem:s22+$0xC4E0] =	vst v6  }
0x92: {  	v2 =	vmul.f32 v2, v14;
	v9 =	vadd.f32 v53, v52;
	v1 =	vadd.f32 v1, v61;
	[tilespmem:s22+$0xC4F0] =	vst v46  }
0x93: {  	v0 =	vmul.f32 v0, v14;
	v8 =	vadd.f32 v15, v55;
	v63 =	vadd.f32 v62, v4;
	[tilespmem:s22+$0xC4C0] =	vst v3  }
0x94: {  	v2 =	vadd.f32 v2, v9;
	[tilespmem:s22+$0xC490] =	vst v1  }
0x95: {  	s20 =	sadd.s32 $0x1, s20;
	v0 =	vadd.f32 v0, v8;
	[tilespmem:s22+$0xC480] =	vst v63  }
0x96: {  	p0 =	sne.s32 s20, s11;
	[tilespmem:s22+$0xC4B0] =	vst v2  }
.Ltmp1:
0x97: {  	[tilespmem:s22+$0xC4A0] =	vst v0;
	(pc) =	sbr.rel @p0 .LBB2_1-.Ltmp1, $4  }
0x98: {  	[hbm4b:s10+s2] =	stream.linear.scatter [tilespmem:s18], [sflag:$0x2], $0x4000, $0x38;
	[tilespmem:$0x10480] =	vst v63  }
0x99: {  	_ =	swait.ge [sflag:s19], $0x4000  }
0x9a: {  	[sflag:s19] =	ssyncset.done $0x0  }
0x9b: {  	[sflag:s19] =	ssyncadd.s32 $0xFFFFC000  }
0x9c: {  	_ =	sfence.sel $0x180000  }
0x9d: {  	[bflag:$0x0] =	sbarrier.arrive $0xFFFF  }
0x9e: {  	p0 =	sne.s32 s1, $0x0;
	_ =	strace $0x90000047  }
0x9f: {  	s0 =	sadd.s32 @!p0 $0x100000, s0;
	[bflag:$0x2] =	sbarrier.arrive $0xFFFF  }
0xa0: {  	[sflag:s0] =	ssyncadd.tile.s32 @!p0 $0x1;
	_ =	shalt  }
.Lfunc_end2:
_tile_overlayer_lowered:
.L_overlay_start_2:
0xa1: {  	(tag) =	ssettag $0x2  }
0xa2: {  	s0 =	rddreg [dreg:$0x0];
	s2 =	stileid.u32  }
0xa3: {  	s1 =	rddreg [dreg:$0x1];
	p0 =	sne.s32 s2, $0x0  }
0xa4: {  	s3 =	rddreg [dreg:$0x2];
	[bflag:$0x3] =	sbarrier.arrive $0xFFFF;
	s2 =	simm.s32 @!p0 $0x1C02  }
0xa5: {  	[timem:s3], [sflag:s2] =	dma.local @!p0 [hbm:s0], s1  }
0xa6: {  	s0 =	simm.s32 @!p0 $0x2  }
0xa7: {  	_ =	swait.ge @!p0 [sflag:s0], s1  }
0xa8: {  	s1 =	ssub.s32 @!p0 $0x0, s1;
	[sflag:s0] =	ssyncset.done @!p0 $0x0  }
0xa9: {  	[sflag:s0] =	ssyncadd.s32 @!p0 s1  }
0xaa: {  	[bflag:$0x3] =	sbarrier.arrive $0xFFFF  }
0xab: {  	_ =	shalt  }

</sc_bundles>
